<compile_context>
chip_gen: v7x
topology: tpu7x:2x2x1
jax: 0.10.2.dev20260603
libtpu: 0.0.44.dev20260713+nightly
codegen_flags: <defaults>
</compile_context>

<pallas_src>
import functools

import jax
import jax.numpy as jnp
from jax import lax
from jax.experimental import pallas as pl
from jax.experimental.pallas import tpu as pltpu
from jax.experimental.pallas import tpu_sc as plsc

N_ROWS = 100000
D_FEAT = 256
TOPK = 512
HIST = 4
VOX = 0.4

LANES = 1024
NBLK = 98
NPAD = NBLK * LANES
ROW_BLK = 2048

NEG_INF = float("-inf")
BIG = 2 ** 30


def _score_body(feat_ref, w1_ref, b1_ref, w2_ref, b2_ref, out_ref):
    pid = pl.program_id(0)
    x = feat_ref[...]
    h = jnp.maximum(
        jnp.dot(x, w1_ref[...], preferred_element_type=jnp.float32)
        + b1_ref[...],
        0.0,
    )
    obj = jnp.dot(h, w2_ref[...], preferred_element_type=jnp.float32) + b2_ref[0, 0]
    rows = pid * ROW_BLK + lax.broadcasted_iota(jnp.int32, (ROW_BLK, 1), 0)
    out_ref[...] = jnp.where(rows < N_ROWS, obj, NEG_INF)


def _scores(feat, W1, b1, W2, b2):
    grid = NPAD // ROW_BLK
    return pl.pallas_call(
        _score_body,
        grid=(grid,),
        in_specs=[
            pl.BlockSpec((ROW_BLK, D_FEAT), lambda i: (i, 0)),
            pl.BlockSpec((D_FEAT, D_FEAT), lambda i: (0, 0)),
            pl.BlockSpec((1, D_FEAT), lambda i: (0, 0)),
            pl.BlockSpec((D_FEAT, 1), lambda i: (0, 0)),
            pl.BlockSpec((1, 1), lambda i: (0, 0)),
        ],
        out_specs=pl.BlockSpec((ROW_BLK, 1), lambda i: (i, 0)),
        out_shape=jax.ShapeDtypeStruct((NPAD, 1), jnp.float32),
    )(feat, W1, b1.reshape(1, D_FEAT), W2, b2.reshape(1, 1))


def _topk_body(scores_ref, packed_ref, vals_ref, idx_ref, pk_ref, s_scr, bm_scr):
    s_scr[...] = scores_ref[...]
    bm_scr[...] = jnp.max(scores_ref[...], axis=1, keepdims=True)
    iota_b = lax.broadcasted_iota(jnp.int32, (NBLK, 1), 0)
    iota_l = lax.broadcasted_iota(jnp.int32, (1, LANES), 1)

    def extract(k):
        bm = bm_scr[...]
        m = jnp.max(bm)
        b = jnp.min(jnp.where(bm == m, iota_b, BIG))
        row = s_scr[pl.ds(b, 1), :]
        j = jnp.min(jnp.where(row == m, iota_l, BIG))
        row_new = jnp.where(iota_l == j, NEG_INF, row)
        s_scr[pl.ds(b, 1), :] = row_new
        bm_scr[...] = jnp.where(iota_b == b, jnp.max(row_new), bm)
        vals_ref[pl.ds(k, 1), :] = jnp.reshape(m, (1, 1))
        idx_ref[pl.ds(k, 1), :] = jnp.reshape(b * LANES + j, (1, 1))
        prow = packed_ref[pl.ds(b, 1), :]
        pv = jnp.min(jnp.where(iota_l == j, prow, BIG))
        pk_ref[pl.ds(k, 1), :] = jnp.reshape(pv, (1, 1))

    def step(i, _):
        for u in range(8):
            extract(i * 8 + u)
        return 0

    lax.fori_loop(0, TOPK // 8, step, 0)


def _topk(scores3d, packed3d):
    return pl.pallas_call(
        _topk_body,
        out_shape=[
            jax.ShapeDtypeStruct((TOPK, 1), jnp.float32),
            jax.ShapeDtypeStruct((TOPK, 1), jnp.int32),
            jax.ShapeDtypeStruct((TOPK, 1), jnp.int32),
        ],
        scratch_shapes=[
            pltpu.VMEM((NBLK, LANES), jnp.float32),
            pltpu.VMEM((NBLK, 1), jnp.float32),
        ],
    )(scores3d, packed3d)


def _sc_gather(feat, idx):
    info = plsc.get_sparse_core_info()
    nw = info.num_cores * info.num_subcores
    bpw = TOPK // nw
    mesh = plsc.VectorSubcoreMesh(core_axis_name="c", subcore_axis_name="s")

    @functools.partial(
        pl.kernel,
        mesh=mesh,
        out_type=jax.ShapeDtypeStruct((TOPK, D_FEAT), jnp.float32),
        scratch_types=[
            pltpu.VMEM((bpw,), jnp.int32),
            pltpu.VMEM((bpw, D_FEAT), jnp.float32),
            pltpu.SemaphoreType.DMA,
        ],
    )
    def k(feat_hbm, idx_hbm, outf_hbm, idx_v, rf_v, sem):
        wid = lax.axis_index("s") * info.num_cores + lax.axis_index("c")
        base = wid * bpw
        pltpu.sync_copy(idx_hbm.at[pl.ds(base, bpw)], idx_v)
        pltpu.async_copy(feat_hbm.at[idx_v], rf_v, sem).wait()
        pltpu.sync_copy(rf_v, outf_hbm.at[pl.ds(base, bpw)])

    return k(feat, idx)


def kernel(feat, coor, W1, b1, W2, b2):
    scores = _scores(feat, W1, b1, W2, b2)
    packed = coor[:, 0] + coor[:, 1] * 1024 + coor[:, 2] * 1048576
    packed2d = jnp.pad(packed, (0, NPAD - N_ROWS)).reshape(NBLK, LANES)
    vals, idx, gpacked = _topk(scores.reshape(NBLK, LANES), packed2d)
    gfeat = _sc_gather(feat, idx.reshape(TOPK))
    gp = gpacked[:, 0]
    cx = gp % 1024
    cy = (gp // 1024) % 1024
    cz = gp // 1048576
    centers = jnp.stack([cx, cy, cz], axis=1).astype(jnp.float32) * VOX
    out = jnp.concatenate([vals, gfeat, centers], axis=1)
    return jnp.broadcast_to(out[None], (HIST, TOPK, 1 + D_FEAT + 3))

# --- scband reference (transcript-rebuilt; emitter-appended) ---
"""Pipeline reference for scband-track-query-based-13005160972700 (READ-ONLY COPY).

The authoritative reference and input builder live on the scoring server;
editing this copy changes nothing except your own understanding.
"""

import jax, jax.numpy as jnp
import numpy as np

N = 100000
D = 256
HIDDEN = 256
TOPK = 512
HISTORY_LEN = 4
VOXEL_SIZE = 0.4


def setup_inputs(seed: int = 0) -> dict:
    key = jax.random.key(seed)
    k1, k2, k3, k4 = jax.random.split(key, 4)
    feat = jax.random.normal(k1, (N, D), dtype=jnp.float32)
    coor = jax.random.randint(k2, (N, 3), 0, 1000, dtype=jnp.int32)
    # objectness_layer = linear_last(input_channels, shared_conv_channel, 1):
    # Linear(D, HIDDEN) + ReLU + Linear(HIDDEN, 1)
    W1 = jax.random.normal(k3, (D, HIDDEN), dtype=jnp.float32) * 0.02
    b1 = jnp.zeros((HIDDEN,), dtype=jnp.float32)
    W2 = jax.random.normal(k4, (HIDDEN, 1), dtype=jnp.float32) * 0.02
    b2 = jnp.zeros((1,), dtype=jnp.float32)
    return {"feat": feat, "coor": coor, "W1": W1, "b1": b1, "W2": W2, "b2": b2}


def reference(feat, coor, W1, b1, W2, b2):
    # indices2metric: voxel indices -> metric centers
    centers = coor.astype(jnp.float32) * VOXEL_SIZE
    # objectness MLP head
    h = jax.nn.relu(feat @ W1 + b1)
    objectness = h @ W2 + b2  # [N, 1]
    outs = []
    for _ in range(HISTORY_LEN):
        vals, idx = jax.lax.top_k(objectness.reshape(-1), TOPK)
        topk_feat = jnp.take(feat, idx, axis=0)      # [TOPK, D]
        topk_centers = jnp.take(centers, idx, axis=0)  # [TOPK, 3]
        outs.append(jnp.concatenate([vals[:, None], topk_feat, topk_centers], axis=1))
    return jnp.stack(outs, axis=0)  # [HISTORY_LEN, TOPK, 1 + D + 3]

if __name__ == "__main__":
    import jax
    _d = setup_inputs()
    print(jax.jit(kernel)(*tuple(_d.values())))

</pallas_src>

<mosaic_0001>
#map = affine_map<(d0, d1) -> (0, 0)>
#map1 = affine_map<(d0, d1) -> (0)>
module attributes {stable_mosaic.version = 14 : i64} {
  func.func @k(%arg0: i32, %arg1: i32, %arg2: memref<100000x256xf32, #tpu.memory_space<hbm>>, %arg3: memref<512xi32, #tpu.memory_space<hbm>>, %arg4: memref<512x256xf32, #tpu.memory_space<hbm>>, %arg5: memref<16xi32, #tpu.memory_space<vmem>>, %arg6: memref<16x256xf32, #tpu.memory_space<vmem>>, %arg7: memref<!tpu.dma_semaphore, #tpu.memory_space<semaphore_mem>>) attributes {dimension_semantics = [#tpu.dimension_semantics<core_parallel>, #tpu.dimension_semantics<subcore_parallel>], iteration_bounds = array<i64: 2, 16>, scalar_prefetch = 0 : i64, scratch_operands = 3 : i64, tpu.core_type = #tpu.core_type<sc_vector_subcore>, window_params = [{transform_indices = #map}, {transform_indices = #map1}, {transform_indices = #map}]} {
    %mul3A = arith.constant 2 : i32
    %mul3A_0 = arith.muli %arg1, %mul3A : i32
    %add3A = arith.addi %mul3A_0, %arg0 : i32
    %mul3A_1 = arith.constant 16 : i32
    %mul3A_2 = arith.muli %add3A, %mul3A_1 : i32
    "tpu.region"() ({
      %run_scoped3A = tpu.sem_alloc : memref<!tpu.dma_semaphore, #tpu.memory_space<semaphore_mem>>
      %dma_start3A_7 = tpu.memref_slice %arg3[%mul3A_2] : memref<512xi32, #tpu.memory_space<hbm>> -> memref<16xi32, #tpu.memory_space<hbm>>
      %dma_start3A_8 = tpu.memref_slice %arg3[%mul3A_2] : memref<512xi32, #tpu.memory_space<hbm>> -> memref<16xi32, #tpu.memory_space<hbm>>
      tpu.enqueue_dma source(%dma_start3A_8 : memref<16xi32, #tpu.memory_space<hbm>>) target(%arg5 : memref<16xi32, #tpu.memory_space<vmem>>) target_semaphore(%run_scoped3A : memref<!tpu.dma_semaphore, #tpu.memory_space<semaphore_mem>>)
      %dma_wait3A_9 = tpu.memref_slice %arg3[%mul3A_2] : memref<512xi32, #tpu.memory_space<hbm>> -> memref<16xi32, #tpu.memory_space<hbm>>
      %dma_wait3A_10 = tpu.memref_slice %arg3[%mul3A_2] : memref<512xi32, #tpu.memory_space<hbm>> -> memref<16xi32, #tpu.memory_space<hbm>>
      tpu.wait_dma2 semaphore(%run_scoped3A : memref<!tpu.dma_semaphore, #tpu.memory_space<semaphore_mem>>) src(%dma_wait3A_10 : memref<16xi32, #tpu.memory_space<hbm>>) dst(%arg5 : memref<16xi32, #tpu.memory_space<vmem>>)
      tpu.yield
    }) : () -> ()
    %dma_start3A = arith.constant 0 : i32
    %dma_start3A_3 = arith.constant 0 : i32
    %dma_start3A_4 = tpu.memref_slice %arg2[%dma_start3A, %dma_start3A_3] : memref<100000x256xf32, #tpu.memory_space<hbm>> -> memref<100000x256xf32, #tpu.memory_space<hbm>>
    tpu.enqueue_indirect_dma source(%dma_start3A_4 : memref<100000x256xf32, #tpu.memory_space<hbm>>) target(%arg6 : memref<16x256xf32, #tpu.memory_space<vmem>>) offsets(%arg5 : memref<16xi32, #tpu.memory_space<vmem>>) semaphore(%arg7 : memref<!tpu.dma_semaphore, #tpu.memory_space<semaphore_mem>>)
    %dma_wait3A = arith.constant 0 : i32
    %dma_wait3A_5 = arith.constant 0 : i32
    %dma_wait3A_6 = tpu.memref_slice %arg2[%dma_wait3A, %dma_wait3A_5] : memref<100000x256xf32, #tpu.memory_space<hbm>> -> memref<100000x256xf32, #tpu.memory_space<hbm>>
    tpu.wait_indirect_dma semaphore(%arg7 : memref<!tpu.dma_semaphore, #tpu.memory_space<semaphore_mem>>) src(%dma_wait3A_6 : memref<100000x256xf32, #tpu.memory_space<hbm>>) dst(%arg6 : memref<16x256xf32, #tpu.memory_space<vmem>>)
    "tpu.region"() ({
      %run_scoped3A = tpu.sem_alloc : memref<!tpu.dma_semaphore, #tpu.memory_space<semaphore_mem>>
      %dma_start3A_7 = arith.constant 0 : i32
      %dma_start3A_8 = tpu.memref_slice %arg4[%mul3A_2, %dma_start3A_7] : memref<512x256xf32, #tpu.memory_space<hbm>> -> memref<16x256xf32, #tpu.memory_space<hbm>>
      %dma_start3A_9 = arith.constant 0 : i32
      %dma_start3A_10 = tpu.memref_slice %arg4[%mul3A_2, %dma_start3A_9] : memref<512x256xf32, #tpu.memory_space<hbm>> -> memref<16x256xf32, #tpu.memory_space<hbm>>
      tpu.enqueue_dma source(%arg6 : memref<16x256xf32, #tpu.memory_space<vmem>>) target(%dma_start3A_10 : memref<16x256xf32, #tpu.memory_space<hbm>>) target_semaphore(%run_scoped3A : memref<!tpu.dma_semaphore, #tpu.memory_space<semaphore_mem>>)
      %dma_wait3A_11 = arith.constant 0 : i32
      %dma_wait3A_12 = tpu.memref_slice %arg4[%mul3A_2, %dma_wait3A_11] : memref<512x256xf32, #tpu.memory_space<hbm>> -> memref<16x256xf32, #tpu.memory_space<hbm>>
      %dma_wait3A_13 = arith.constant 0 : i32
      %dma_wait3A_14 = tpu.memref_slice %arg4[%mul3A_2, %dma_wait3A_13] : memref<512x256xf32, #tpu.memory_space<hbm>> -> memref<16x256xf32, #tpu.memory_space<hbm>>
      tpu.wait_dma2 semaphore(%run_scoped3A : memref<!tpu.dma_semaphore, #tpu.memory_space<semaphore_mem>>) src(%arg6 : memref<16x256xf32, #tpu.memory_space<vmem>>) dst(%dma_wait3A_14 : memref<16x256xf32, #tpu.memory_space<hbm>>)
      tpu.yield
    }) : () -> ()
    return
  }
}

module attributes {stable_mosaic.version = 14 : i64} {
  func.func @_score_body(%arg0: i32, %arg1: memref<2048x256xf32, #tpu.memory_space<vmem>>, %arg2: memref<256x256xf32, #tpu.memory_space<vmem>>, %arg3: memref<1x256xf32, #tpu.memory_space<vmem>>, %arg4: memref<256x1xf32, #tpu.memory_space<vmem>>, %arg5: memref<1x1xf32, #tpu.memory_space<vmem>>, %arg6: memref<2048x1xf32, #tpu.memory_space<vmem>>) attributes {dimension_semantics = [#tpu.dimension_semantics<arbitrary>], iteration_bounds = array<i64: 49>, scalar_prefetch = 0 : i64, scratch_operands = 0 : i64, tpu.core_type = #tpu.core_type<tc>, window_params = [{transform_indices = @transform_0, window_bounds = array<i64: 2048, 256>}, {pipeline_mode = #tpu.pipeline_mode<synchronous>, transform_indices = @transform_1, window_bounds = array<i64: 256, 256>}, {pipeline_mode = #tpu.pipeline_mode<synchronous>, transform_indices = @transform_2, window_bounds = array<i64: 1, 256>}, {pipeline_mode = #tpu.pipeline_mode<synchronous>, transform_indices = @transform_3, window_bounds = array<i64: 256, 1>}, {pipeline_mode = #tpu.pipeline_mode<synchronous>, transform_indices = @transform_4, window_bounds = array<i64: 1, 1>}, {transform_indices = @transform_5, window_bounds = array<i64: 2048, 1>}]} {
    %get3A = arith.constant 0 : index
    %get3A_0 = arith.constant 0 : index
    %get3A_1 = vector.load %arg1[%get3A, %get3A_0] : memref<2048x256xf32, #tpu.memory_space<vmem>>, vector<2048x256xf32>
    %get3A_2 = arith.constant 0 : index
    %get3A_3 = arith.constant 0 : index
    %get3A_4 = vector.load %arg2[%get3A_2, %get3A_3] : memref<256x256xf32, #tpu.memory_space<vmem>>, vector<256x256xf32>
    %dot_general3A = arith.constant dense<0.000000e+00> : vector<2048x256xf32>
    %dot_general3A_5 = tpu.matmul %get3A_1, %get3A_4, %dot_general3A {dimension_numbers = #tpu.dot_dimension_numbers<[1], [0], [0], [1], [0, 0, 1, 1], [], []>, transpose_lhs_hint = false} : vector<2048x256xf32>, vector<256x256xf32>, vector<2048x256xf32> -> vector<2048x256xf32>
    %get3A_6 = arith.constant 0 : index
    %get3A_7 = arith.constant 0 : index
    %get3A_8 = vector.load %arg3[%get3A_6, %get3A_7] : memref<1x256xf32, #tpu.memory_space<vmem>>, vector<1x256xf32>
    %add3A = vector.broadcast %get3A_8 : vector<1x256xf32> to vector<2048x256xf32>
    %add3A_9 = arith.addf %dot_general3A_5, %add3A : vector<2048x256xf32>
    %max3A = arith.constant 0.000000e+00 : f32
    %max3A_10 = vector.broadcast %max3A : f32 to vector<2048x256xf32>
    %max3A_11 = arith.maximumf %add3A_9, %max3A_10 : vector<2048x256xf32>
    %get3A_12 = arith.constant 0 : index
    %get3A_13 = arith.constant 0 : index
    %get3A_14 = vector.load %arg4[%get3A_12, %get3A_13] : memref<256x1xf32, #tpu.memory_space<vmem>>, vector<256x1xf32>
    %dot_general3A_15 = arith.constant dense<0.000000e+00> : vector<2048x1xf32>
    %dot_general3A_16 = tpu.matmul %max3A_11, %get3A_14, %dot_general3A_15 {dimension_numbers = #tpu.dot_dimension_numbers<[1], [0], [0], [1], [0, 0, 1, 1], [], []>, transpose_lhs_hint = false} : vector<2048x256xf32>, vector<256x1xf32>, vector<2048x1xf32> -> vector<2048x1xf32>
    %get3A_17 = arith.constant 0 : index
    %get3A_18 = arith.constant 0 : index
    %get3A_19 = vector.load %arg5[%get3A_17, %get3A_18] : memref<1x1xf32, #tpu.memory_space<vmem>>, vector<1x1xf32>
    %get3A_20 = vector.extract %get3A_19[0, 0] : f32 from vector<1x1xf32>
    %add3A_21 = vector.broadcast %get3A_20 : f32 to vector<2048x1xf32>
    %add3A_22 = arith.addf %dot_general3A_16, %add3A_21 : vector<2048x1xf32>
    %mul3A = arith.constant 2048 : i32
    %mul3A_23 = arith.muli %arg0, %mul3A : i32
    %iota3A = tpu.iota {dimensions = array<i32: 0>} : vector<2048x1xi32>
    %add3A_24 = vector.broadcast %mul3A_23 : i32 to vector<2048x1xi32>
    %add3A_25 = arith.addi %add3A_24, %iota3A : vector<2048x1xi32>
    %lt3A = arith.constant 100000 : i32
    %lt3A_26 = vector.broadcast %lt3A : i32 to vector<2048x1xi32>
    %lt3A_27 = arith.cmpi slt, %add3A_25, %lt3A_26 : vector<2048x1xi32>
    %jit3A = arith.constant 0xFF800000 : f32
    %broadcast_in_dim3A = vector.broadcast %jit3A : f32 to vector<2048x1xf32>
    %select_n3A = arith.select %lt3A_27, %add3A_22, %broadcast_in_dim3A : vector<2048x1xi1>, vector<2048x1xf32>
    %swap3A = arith.constant 0 : index
    %swap3A_28 = arith.constant 0 : index
    %swap3A_29 = vector.load %arg6[%swap3A, %swap3A_28] : memref<2048x1xf32, #tpu.memory_space<vmem>>, vector<2048x1xf32>
    tpu.vector_store %arg6[%swap3A, %swap3A_28], %select_n3A {strides = array<i32>} : memref<2048x1xf32, #tpu.memory_space<vmem>>, vector<2048x1xf32>,
    return
  }
  func.func @transform_0(%arg0: i32) -> (i32, i32) {
    %c0_i32 = arith.constant 0 : i32
    %c0_i32_0 = arith.constant 0 : i32
    return %arg0, %c0_i32 : i32, i32
  }
  func.func @transform_1(%arg0: i32) -> (i32, i32) {
    %c0_i32 = arith.constant 0 : i32
    %c0_i32_0 = arith.constant 0 : i32
    %c0_i32_1 = arith.constant 0 : i32
    return %c0_i32, %c0_i32_0 : i32, i32
  }
  func.func @transform_2(%arg0: i32) -> (i32, i32) {
    %c0_i32 = arith.constant 0 : i32
    %c0_i32_0 = arith.constant 0 : i32
    %c0_i32_1 = arith.constant 0 : i32
    return %c0_i32, %c0_i32_0 : i32, i32
  }
  func.func @transform_3(%arg0: i32) -> (i32, i32) {
    %c0_i32 = arith.constant 0 : i32
    %c0_i32_0 = arith.constant 0 : i32
    %c0_i32_1 = arith.constant 0 : i32
    return %c0_i32, %c0_i32_0 : i32, i32
  }
  func.func @transform_4(%arg0: i32) -> (i32, i32) {
    %c0_i32 = arith.constant 0 : i32
    %c0_i32_0 = arith.constant 0 : i32
    %c0_i32_1 = arith.constant 0 : i32
    return %c0_i32, %c0_i32_0 : i32, i32
  }
  func.func @transform_5(%arg0: i32) -> (i32, i32) {
    %c0_i32 = arith.constant 0 : i32
    %c0_i32_0 = arith.constant 0 : i32
    return %arg0, %c0_i32 : i32, i32
  }
}

module attributes {stable_mosaic.version = 14 : i64} {
  func.func @_topk_body(%arg0: memref<98x1024xf32, #tpu.memory_space<vmem>>, %arg1: memref<98x1024xi32, #tpu.memory_space<vmem>>, %arg2: memref<512x1xf32, #tpu.memory_space<vmem>>, %arg3: memref<512x1xi32, #tpu.memory_space<vmem>>, %arg4: memref<512x1xi32, #tpu.memory_space<vmem>>, %arg5: memref<98x1024xf32, #tpu.memory_space<vmem>>, %arg6: memref<98x1xf32, #tpu.memory_space<vmem>>) attributes {dimension_semantics = [], scalar_prefetch = 0 : i64, scratch_operands = 2 : i64, tpu.core_type = #tpu.core_type<tc>} {
    %get3A = arith.constant 0 : index
    %get3A_0 = arith.constant 0 : index
    %get3A_1 = vector.load %arg0[%get3A, %get3A_0] : memref<98x1024xf32, #tpu.memory_space<vmem>>, vector<98x1024xf32>
    %swap3A = arith.constant 0 : index
    %swap3A_2 = arith.constant 0 : index
    %swap3A_3 = vector.load %arg5[%swap3A, %swap3A_2] : memref<98x1024xf32, #tpu.memory_space<vmem>>, vector<98x1024xf32>
    tpu.vector_store %arg5[%swap3A, %swap3A_2], %get3A_1 {strides = array<i32>} : memref<98x1024xf32, #tpu.memory_space<vmem>>, vector<98x1024xf32>,
    %get3A_4 = arith.constant 0 : index
    %get3A_5 = arith.constant 0 : index
    %get3A_6 = vector.load %arg0[%get3A_4, %get3A_5] : memref<98x1024xf32, #tpu.memory_space<vmem>>, vector<98x1024xf32>
    %reduce_max3A = arith.constant dense<0xFF800000> : vector<98xf32>
    %reduce_max3A_7 = vector.multi_reduction <maximumf>, %get3A_6, %reduce_max3A [1] : vector<98x1024xf32> to vector<98xf32>
    %broadcast_in_dim3A = vector.shape_cast %reduce_max3A_7 : vector<98xf32> to vector<98x1xf32>
    %swap3A_8 = arith.constant 0 : index
    %swap3A_9 = arith.constant 0 : index
    %swap3A_10 = vector.load %arg6[%swap3A_8, %swap3A_9] : memref<98x1xf32, #tpu.memory_space<vmem>>, vector<98x1xf32>
    tpu.vector_store %arg6[%swap3A_8, %swap3A_9], %broadcast_in_dim3A {strides = array<i32>} : memref<98x1xf32, #tpu.memory_space<vmem>>, vector<98x1xf32>,
    %iota3A = tpu.iota {dimensions = array<i32: 0>} : vector<98x1xi32>
    %iota3A_11 = tpu.iota {dimensions = array<i32: 1>} : vector<1x1024xi32>
    %scan3A = arith.constant 0 : i32
    %scan3A_12 = arith.constant 64 : i32
    %scan3A_13 = arith.addi %scan3A, %scan3A_12 : i32
    %scan3A_14 = arith.constant 1 : i32
    scf.for %scan3A_16 = %scan3A to %scan3A_13 step %scan3A_14  : i32 {
      %mul3A = arith.constant 8 : i32
      %mul3A_17 = arith.muli %scan3A_16, %mul3A : i32
      %add3A = arith.constant 0 : i32
      %add3A_18 = arith.addi %mul3A_17, %add3A : i32
      %get3A_19 = arith.constant 0 : index
      %get3A_20 = arith.constant 0 : index
      %get3A_21 = vector.load %arg6[%get3A_19, %get3A_20] : memref<98x1xf32, #tpu.memory_space<vmem>>, vector<98x1xf32>
      %reduce_max3A_22 = vector.shape_cast %get3A_21 : vector<98x1xf32> to vector<1x98x1xf32>
      %reduce_max3A_23 = arith.constant dense<0xFF800000> : vector<1xf32>
      %reduce_max3A_24 = vector.multi_reduction <maximumf>, %reduce_max3A_22, %reduce_max3A_23 [1, 2] : vector<1x98x1xf32> to vector<1xf32>
      %reduce_max3A_25 = vector.shape_cast %reduce_max3A_24 : vector<1xf32> to vector<1x1x1xf32>
      %reduce_max3A_26 = vector.extract %reduce_max3A_25[0, 0, 0] : f32 from vector<1x1x1xf32>
      %eq3A = vector.broadcast %reduce_max3A_26 : f32 to vector<98x1xf32>
      %eq3A_27 = arith.cmpf oeq, %get3A_21, %eq3A : vector<98x1xf32>
      %jit3A = arith.constant 1073741824 : i32
      %broadcast_in_dim3A_28 = vector.broadcast %jit3A : i32 to vector<98x1xi32>
      %select_n3A = arith.select %eq3A_27, %iota3A, %broadcast_in_dim3A_28 : vector<98x1xi1>, vector<98x1xi32>
      %reduce_min3A = vector.shape_cast %select_n3A : vector<98x1xi32> to vector<1x98x1xi32>
      %reduce_min3A_29 = arith.constant dense<2147483647> : vector<1xi32>
      %reduce_min3A_30 = vector.multi_reduction <minsi>, %reduce_min3A, %reduce_min3A_29 [1, 2] : vector<1x98x1xi32> to vector<1xi32>
      %reduce_min3A_31 = vector.shape_cast %reduce_min3A_30 : vector<1xi32> to vector<1x1x1xi32>
      %reduce_min3A_32 = vector.extract %reduce_min3A_31[0, 0, 0] : i32 from vector<1x1x1xi32>
      %get3A_33 = arith.index_cast %reduce_min3A_32 : i32 to index
      %get3A_34 = arith.constant 0 : index
      %get3A_35 = vector.load %arg5[%get3A_33, %get3A_34] : memref<98x1024xf32, #tpu.memory_space<vmem>>, vector<1x1024xf32>
      %eq3A_36 = vector.broadcast %reduce_max3A_26 : f32 to vector<1x1024xf32>
      %eq3A_37 = arith.cmpf oeq, %get3A_35, %eq3A_36 : vector<1x1024xf32>
      %jit3A_38 = arith.constant 1073741824 : i32
      %broadcast_in_dim3A_39 = vector.broadcast %jit3A_38 : i32 to vector<1x1024xi32>
      %select_n3A_40 = arith.select %eq3A_37, %iota3A_11, %broadcast_in_dim3A_39 : vector<1x1024xi1>, vector<1x1024xi32>
      %reduce_min3A_41 = vector.shape_cast %select_n3A_40 : vector<1x1024xi32> to vector<1x1x1024xi32>
      %reduce_min3A_42 = arith.constant dense<2147483647> : vector<1xi32>
      %reduce_min3A_43 = vector.multi_reduction <minsi>, %reduce_min3A_41, %reduce_min3A_42 [1, 2] : vector<1x1x1024xi32> to vector<1xi32>
      %reduce_min3A_44 = vector.shape_cast %reduce_min3A_43 : vector<1xi32> to vector<1x1x1xi32>
      %reduce_min3A_45 = vector.extract %reduce_min3A_44[0, 0, 0] : i32 from vector<1x1x1xi32>
      %eq3A_46 = vector.broadcast %reduce_min3A_45 : i32 to vector<1x1024xi32>
      %eq3A_47 = arith.cmpi eq, %iota3A_11, %eq3A_46 : vector<1x1024xi32>
      %jit3A_48 = arith.constant 0xFF800000 : f32
      %broadcast_in_dim3A_49 = vector.broadcast %jit3A_48 : f32 to vector<1x1024xf32>
      %select_n3A_50 = arith.select %eq3A_47, %broadcast_in_dim3A_49, %get3A_35 : vector<1x1024xi1>, vector<1x1024xf32>
      %swap3A_51 = arith.index_cast %reduce_min3A_32 : i32 to index
      %swap3A_52 = arith.constant 0 : index
      %swap3A_53 = vector.load %arg5[%swap3A_51, %swap3A_52] : memref<98x1024xf32, #tpu.memory_space<vmem>>, vector<1x1024xf32>
      tpu.vector_store %arg5[%swap3A_51, %swap3A_52], %select_n3A_50 {strides = array<i32>} : memref<98x1024xf32, #tpu.memory_space<vmem>>, vector<1x1024xf32>,
      %eq3A_54 = vector.broadcast %reduce_min3A_32 : i32 to vector<98x1xi32>
      %eq3A_55 = arith.cmpi eq, %iota3A, %eq3A_54 : vector<98x1xi32>
      %reduce_max3A_56 = vector.shape_cast %select_n3A_50 : vector<1x1024xf32> to vector<1x1x1024xf32>
      %reduce_max3A_57 = arith.constant dense<0xFF800000> : vector<1xf32>
      %reduce_max3A_58 = vector.multi_reduction <maximumf>, %reduce_max3A_56, %reduce_max3A_57 [1, 2] : vector<1x1x1024xf32> to vector<1xf32>
      %reduce_max3A_59 = vector.shape_cast %reduce_max3A_58 : vector<1xf32> to vector<1x1x1xf32>
      %reduce_max3A_60 = vector.extract %reduce_max3A_59[0, 0, 0] : f32 from vector<1x1x1xf32>
      %broadcast_in_dim3A_61 = vector.broadcast %reduce_max3A_60 : f32 to vector<98x1xf32>
      %select_n3A_62 = arith.select %eq3A_55, %broadcast_in_dim3A_61, %get3A_21 : vector<98x1xi1>, vector<98x1xf32>
      %swap3A_63 = arith.constant 0 : index
      %swap3A_64 = arith.constant 0 : index
      %swap3A_65 = vector.load %arg6[%swap3A_63, %swap3A_64] : memref<98x1xf32, #tpu.memory_space<vmem>>, vector<98x1xf32>
      tpu.vector_store %arg6[%swap3A_63, %swap3A_64], %select_n3A_62 {strides = array<i32>} : memref<98x1xf32, #tpu.memory_space<vmem>>, vector<98x1xf32>,
      %reshape3A = vector.broadcast %reduce_max3A_26 : f32 to vector<1x1xf32>
      %swap3A_66 = arith.index_cast %add3A_18 : i32 to index
      %swap3A_67 = arith.constant 0 : index
      %swap3A_68 = vector.load %arg2[%swap3A_66, %swap3A_67] : memref<512x1xf32, #tpu.memory_space<vmem>>, vector<1x1xf32>
      tpu.vector_store %arg2[%swap3A_66, %swap3A_67], %reshape3A {strides = array<i32>} : memref<512x1xf32, #tpu.memory_space<vmem>>, vector<1x1xf32>,
      %mul3A_69 = arith.constant 1024 : i32
      %mul3A_70 = arith.muli %reduce_min3A_32, %mul3A_69 : i32
      %add3A_71 = arith.addi %mul3A_70, %reduce_min3A_45 : i32
      %reshape3A_72 = vector.broadcast %add3A_71 : i32 to vector<1x1xi32>
      %swap3A_73 = arith.index_cast %add3A_18 : i32 to index
      %swap3A_74 = arith.constant 0 : index
      %swap3A_75 = vector.load %arg3[%swap3A_73, %swap3A_74] : memref<512x1xi32, #tpu.memory_space<vmem>>, vector<1x1xi32>
      tpu.vector_store %arg3[%swap3A_73, %swap3A_74], %reshape3A_72 {strides = array<i32>} : memref<512x1xi32, #tpu.memory_space<vmem>>, vector<1x1xi32>,
      %get3A_76 = arith.index_cast %reduce_min3A_32 : i32 to index
      %get3A_77 = arith.constant 0 : index
      %get3A_78 = vector.load %arg1[%get3A_76, %get3A_77] : memref<98x1024xi32, #tpu.memory_space<vmem>>, vector<1x1024xi32>
      %eq3A_79 = vector.broadcast %reduce_min3A_45 : i32 to vector<1x1024xi32>
      %eq3A_80 = arith.cmpi eq, %iota3A_11, %eq3A_79 : vector<1x1024xi32>
      %jit3A_81 = arith.constant 1073741824 : i32
      %broadcast_in_dim3A_82 = vector.broadcast %jit3A_81 : i32 to vector<1x1024xi32>
      %select_n3A_83 = arith.select %eq3A_80, %get3A_78, %broadcast_in_dim3A_82 : vector<1x1024xi1>, vector<1x1024xi32>
      %reduce_min3A_84 = vector.shape_cast %select_n3A_83 : vector<1x1024xi32> to vector<1x1x1024xi32>
      %reduce_min3A_85 = arith.constant dense<2147483647> : vector<1xi32>
      %reduce_min3A_86 = vector.multi_reduction <minsi>, %reduce_min3A_84, %reduce_min3A_85 [1, 2] : vector<1x1x1024xi32> to vector<1xi32>
      %reduce_min3A_87 = vector.shape_cast %reduce_min3A_86 : vector<1xi32> to vector<1x1x1xi32>
      %reduce_min3A_88 = vector.extract %reduce_min3A_87[0, 0, 0] : i32 from vector<1x1x1xi32>
      %reshape3A_89 = vector.broadcast %reduce_min3A_88 : i32 to vector<1x1xi32>
      %swap3A_90 = arith.index_cast %add3A_18 : i32 to index
      %swap3A_91 = arith.constant 0 : index
      %swap3A_92 = vector.load %arg4[%swap3A_90, %swap3A_91] : memref<512x1xi32, #tpu.memory_space<vmem>>, vector<1x1xi32>
      tpu.vector_store %arg4[%swap3A_90, %swap3A_91], %reshape3A_89 {strides = array<i32>} : memref<512x1xi32, #tpu.memory_space<vmem>>, vector<1x1xi32>,
      %mul3A_93 = arith.constant 8 : i32
      %mul3A_94 = arith.muli %scan3A_16, %mul3A_93 : i32
      %add3A_95 = arith.constant 1 : i32
      %add3A_96 = arith.addi %mul3A_94, %add3A_95 : i32
      %get3A_97 = arith.constant 0 : index
      %get3A_98 = arith.constant 0 : index
      %get3A_99 = vector.load %arg6[%get3A_97, %get3A_98] : memref<98x1xf32, #tpu.memory_space<vmem>>, vector<98x1xf32>
      %reduce_max3A_100 = vector.shape_cast %get3A_99 : vector<98x1xf32> to vector<1x98x1xf32>
      %reduce_max3A_101 = arith.constant dense<0xFF800000> : vector<1xf32>
      %reduce_max3A_102 = vector.multi_reduction <maximumf>, %reduce_max3A_100, %reduce_max3A_101 [1, 2] : vector<1x98x1xf32> to vector<1xf32>
      %reduce_max3A_103 = vector.shape_cast %reduce_max3A_102 : vector<1xf32> to vector<1x1x1xf32>
      %reduce_max3A_104 = vector.extract %reduce_max3A_103[0, 0, 0] : f32 from vector<1x1x1xf32>
      %eq3A_105 = vector.broadcast %reduce_max3A_104 : f32 to vector<98x1xf32>
      %eq3A_106 = arith.cmpf oeq, %get3A_99, %eq3A_105 : vector<98x1xf32>
      %jit3A_107 = arith.constant 1073741824 : i32
      %broadcast_in_dim3A_108 = vector.broadcast %jit3A_107 : i32 to vector<98x1xi32>
      %select_n3A_109 = arith.select %eq3A_106, %iota3A, %broadcast_in_dim3A_108 : vector<98x1xi1>, vector<98x1xi32>
      %reduce_min3A_110 = vector.shape_cast %select_n3A_109 : vector<98x1xi32> to vector<1x98x1xi32>
      %reduce_min3A_111 = arith.constant dense<2147483647> : vector<1xi32>
      %reduce_min3A_112 = vector.multi_reduction <minsi>, %reduce_min3A_110, %reduce_min3A_111 [1, 2] : vector<1x98x1xi32> to vector<1xi32>
      %reduce_min3A_113 = vector.shape_cast %reduce_min3A_112 : vector<1xi32> to vector<1x1x1xi32>
      %reduce_min3A_114 = vector.extract %reduce_min3A_113[0, 0, 0] : i32 from vector<1x1x1xi32>
      %get3A_115 = arith.index_cast %reduce_min3A_114 : i32 to index
      %get3A_116 = arith.constant 0 : index
      %get3A_117 = vector.load %arg5[%get3A_115, %get3A_116] : memref<98x1024xf32, #tpu.memory_space<vmem>>, vector<1x1024xf32>
      %eq3A_118 = vector.broadcast %reduce_max3A_104 : f32 to vector<1x1024xf32>
      %eq3A_119 = arith.cmpf oeq, %get3A_117, %eq3A_118 : vector<1x1024xf32>
      %jit3A_120 = arith.constant 1073741824 : i32
      %broadcast_in_dim3A_121 = vector.broadcast %jit3A_120 : i32 to vector<1x1024xi32>
      %select_n3A_122 = arith.select %eq3A_119, %iota3A_11, %broadcast_in_dim3A_121 : vector<1x1024xi1>, vector<1x1024xi32>
      %reduce_min3A_123 = vector.shape_cast %select_n3A_122 : vector<1x1024xi32> to vector<1x1x1024xi32>
      %reduce_min3A_124 = arith.constant dense<2147483647> : vector<1xi32>
      %reduce_min3A_125 = vector.multi_reduction <minsi>, %reduce_min3A_123, %reduce_min3A_124 [1, 2] : vector<1x1x1024xi32> to vector<1xi32>
      %reduce_min3A_126 = vector.shape_cast %reduce_min3A_125 : vector<1xi32> to vector<1x1x1xi32>
      %reduce_min3A_127 = vector.extract %reduce_min3A_126[0, 0, 0] : i32 from vector<1x1x1xi32>
      %eq3A_128 = vector.broadcast %reduce_min3A_127 : i32 to vector<1x1024xi32>
      %eq3A_129 = arith.cmpi eq, %iota3A_11, %eq3A_128 : vector<1x1024xi32>
      %jit3A_130 = arith.constant 0xFF800000 : f32
      %broadcast_in_dim3A_131 = vector.broadcast %jit3A_130 : f32 to vector<1x1024xf32>
      %select_n3A_132 = arith.select %eq3A_129, %broadcast_in_dim3A_131, %get3A_117 : vector<1x1024xi1>, vector<1x1024xf32>
      %swap3A_133 = arith.index_cast %reduce_min3A_114 : i32 to index
      %swap3A_134 = arith.constant 0 : index
      %swap3A_135 = vector.load %arg5[%swap3A_133, %swap3A_134] : memref<98x1024xf32, #tpu.memory_space<vmem>>, vector<1x1024xf32>
      tpu.vector_store %arg5[%swap3A_133, %swap3A_134], %select_n3A_132 {strides = array<i32>} : memref<98x1024xf32, #tpu.memory_space<vmem>>, vector<1x1024xf32>,
      %eq3A_136 = vector.broadcast %reduce_min3A_114 : i32 to vector<98x1xi32>
      %eq3A_137 = arith.cmpi eq, %iota3A, %eq3A_136 : vector<98x1xi32>
      %reduce_max3A_138 = vector.shape_cast %select_n3A_132 : vector<1x1024xf32> to vector<1x1x1024xf32>
      %reduce_max3A_139 = arith.constant dense<0xFF800000> : vector<1xf32>
      %reduce_max3A_140 = vector.multi_reduction <maximumf>, %reduce_max3A_138, %reduce_max3A_139 [1, 2] : vector<1x1x1024xf32> to vector<1xf32>
      %reduce_max3A_141 = vector.shape_cast %reduce_max3A_140 : vector<1xf32> to vector<1x1x1xf32>
      %reduce_max3A_142 = vector.extract %reduce_max3A_141[0, 0, 0] : f32 from vector<1x1x1xf32>
      %broadcast_in_dim3A_143 = vector.broadcast %reduce_max3A_142 : f32 to vector<98x1xf32>
      %select_n3A_144 = arith.select %eq3A_137, %broadcast_in_dim3A_143, %get3A_99 : vector<98x1xi1>, vector<98x1xf32>
      %swap3A_145 = arith.constant 0 : index
      %swap3A_146 = arith.constant 0 : index
      %swap3A_147 = vector.load %arg6[%swap3A_145, %swap3A_146] : memref<98x1xf32, #tpu.memory_space<vmem>>, vector<98x1xf32>
      tpu.vector_store %arg6[%swap3A_145, %swap3A_146], %select_n3A_144 {strides = array<i32>} : memref<98x1xf32, #tpu.memory_space<vmem>>, vector<98x1xf32>,
      %reshape3A_148 = vector.broadcast %reduce_max3A_104 : f32 to vector<1x1xf32>
      %swap3A_149 = arith.index_cast %add3A_96 : i32 to index
      %swap3A_150 = arith.constant 0 : index
      %swap3A_151 = vector.load %arg2[%swap3A_149, %swap3A_150] : memref<512x1xf32, #tpu.memory_space<vmem>>, vector<1x1xf32>
      tpu.vector_store %arg2[%swap3A_149, %swap3A_150], %reshape3A_148 {strides = array<i32>} : memref<512x1xf32, #tpu.memory_space<vmem>>, vector<1x1xf32>,
      %mul3A_152 = arith.constant 1024 : i32
      %mul3A_153 = arith.muli %reduce_min3A_114, %mul3A_152 : i32
      %add3A_154 = arith.addi %mul3A_153, %reduce_min3A_127 : i32
      %reshape3A_155 = vector.broadcast %add3A_154 : i32 to vector<1x1xi32>
      %swap3A_156 = arith.index_cast %add3A_96 : i32 to index
      %swap3A_157 = arith.constant 0 : index
      %swap3A_158 = vector.load %arg3[%swap3A_156, %swap3A_157] : memref<512x1xi32, #tpu.memory_space<vmem>>, vector<1x1xi32>
      tpu.vector_store %arg3[%swap3A_156, %swap3A_157], %reshape3A_155 {strides = array<i32>} : memref<512x1xi32, #tpu.memory_space<vmem>>, vector<1x1xi32>,
      %get3A_159 = arith.index_cast %reduce_min3A_114 : i32 to index
      %get3A_160 = arith.constant 0 : index
      %get3A_161 = vector.load %arg1[%get3A_159, %get3A_160] : memref<98x1024xi32, #tpu.memory_space<vmem>>, vector<1x1024xi32>
      %eq3A_162 = vector.broadcast %reduce_min3A_127 : i32 to vector<1x1024xi32>
      %eq3A_163 = arith.cmpi eq, %iota3A_11, %eq3A_162 : vector<1x1024xi32>
      %jit3A_164 = arith.constant 1073741824 : i32
      %broadcast_in_dim3A_165 = vector.broadcast %jit3A_164 : i32 to vector<1x1024xi32>
      %select_n3A_166 = arith.select %eq3A_163, %get3A_161, %broadcast_in_dim3A_165 : vector<1x1024xi1>, vector<1x1024xi32>
      %reduce_min3A_167 = vector.shape_cast %select_n3A_166 : vector<1x1024xi32> to vector<1x1x1024xi32>
      %reduce_min3A_168 = arith.constant dense<2147483647> : vector<1xi32>
      %reduce_min3A_169 = vector.multi_reduction <minsi>, %reduce_min3A_167, %reduce_min3A_168 [1, 2] : vector<1x1x1024xi32> to vector<1xi32>
      %reduce_min3A_170 = vector.shape_cast %reduce_min3A_169 : vector<1xi32> to vector<1x1x1xi32>
      %reduce_min3A_171 = vector.extract %reduce_min3A_170[0, 0, 0] : i32 from vector<1x1x1xi32>
      %reshape3A_172 = vector.broadcast %reduce_min3A_171 : i32 to vector<1x1xi32>
      %swap3A_173 = arith.index_cast %add3A_96 : i32 to index
      %swap3A_174 = arith.constant 0 : index
      %swap3A_175 = vector.load %arg4[%swap3A_173, %swap3A_174] : memref<512x1xi32, #tpu.memory_space<vmem>>, vector<1x1xi32>
      tpu.vector_store %arg4[%swap3A_173, %swap3A_174], %reshape3A_172 {strides = array<i32>} : memref<512x1xi32, #tpu.memory_space<vmem>>, vector<1x1xi32>,
      %mul3A_176 = arith.constant 8 : i32
      %mul3A_177 = arith.muli %scan3A_16, %mul3A_176 : i32
      %add3A_178 = arith.constant 2 : i32
      %add3A_179 = arith.addi %mul3A_177, %add3A_178 : i32
      %get3A_180 = arith.constant 0 : index
      %get3A_181 = arith.constant 0 : index
      %get3A_182 = vector.load %arg6[%get3A_180, %get3A_181] : memref<98x1xf32, #tpu.memory_space<vmem>>, vector<98x1xf32>
      %reduce_max3A_183 = vector.shape_cast %get3A_182 : vector<98x1xf32> to vector<1x98x1xf32>
      %reduce_max3A_184 = arith.constant dense<0xFF800000> : vector<1xf32>
      %reduce_max3A_185 = vector.multi_reduction <maximumf>, %reduce_max3A_183, %reduce_max3A_184 [1, 2] : vector<1x98x1xf32> to vector<1xf32>
      %reduce_max3A_186 = vector.shape_cast %reduce_max3A_185 : vector<1xf32> to vector<1x1x1xf32>
      %reduce_max3A_187 = vector.extract %reduce_max3A_186[0, 0, 0] : f32 from vector<1x1x1xf32>
      %eq3A_188 = vector.broadcast %reduce_max3A_187 : f32 to vector<98x1xf32>
      %eq3A_189 = arith.cmpf oeq, %get3A_182, %eq3A_188 : vector<98x1xf32>
      %jit3A_190 = arith.constant 1073741824 : i32
      %broadcast_in_dim3A_191 = vector.broadcast %jit3A_190 : i32 to vector<98x1xi32>
      %select_n3A_192 = arith.select %eq3A_189, %iota3A, %broadcast_in_dim3A_191 : vector<98x1xi1>, vector<98x1xi32>
      %reduce_min3A_193 = vector.shape_cast %select_n3A_192 : vector<98x1xi32> to vector<1x98x1xi32>
      %reduce_min3A_194 = arith.constant dense<2147483647> : vector<1xi32>
      %reduce_min3A_195 = vector.multi_reduction <minsi>, %reduce_min3A_193, %reduce_min3A_194 [1, 2] : vector<1x98x1xi32> to vector<1xi32>
      %reduce_min3A_196 = vector.shape_cast %reduce_min3A_195 : vector<1xi32> to vector<1x1x1xi32>
      %reduce_min3A_197 = vector.extract %reduce_min3A_196[0, 0, 0] : i32 from vector<1x1x1xi32>
      %get3A_198 = arith.index_cast %reduce_min3A_197 : i32 to index
      %get3A_199 = arith.constant 0 : index
      %get3A_200 = vector.load %arg5[%get3A_198, %get3A_199] : memref<98x1024xf32, #tpu.memory_space<vmem>>, vector<1x1024xf32>
      %eq3A_201 = vector.broadcast %reduce_max3A_187 : f32 to vector<1x1024xf32>
      %eq3A_202 = arith.cmpf oeq, %get3A_200, %eq3A_201 : vector<1x1024xf32>
      %jit3A_203 = arith.constant 1073741824 : i32
      %broadcast_in_dim3A_204 = vector.broadcast %jit3A_203 : i32 to vector<1x1024xi32>
      %select_n3A_205 = arith.select %eq3A_202, %iota3A_11, %broadcast_in_dim3A_204 : vector<1x1024xi1>, vector<1x1024xi32>
      %reduce_min3A_206 = vector.shape_cast %select_n3A_205 : vector<1x1024xi32> to vector<1x1x1024xi32>
      %reduce_min3A_207 = arith.constant dense<2147483647> : vector<1xi32>
      %reduce_min3A_208 = vector.multi_reduction <minsi>, %reduce_min3A_206, %reduce_min3A_207 [1, 2] : vector<1x1x1024xi32> to vector<1xi32>
      %reduce_min3A_209 = vector.shape_cast %reduce_min3A_208 : vector<1xi32> to vector<1x1x1xi32>
      %reduce_min3A_210 = vector.extract %reduce_min3A_209[0, 0, 0] : i32 from vector<1x1x1xi32>
      %eq3A_211 = vector.broadcast %reduce_min3A_210 : i32 to vector<1x1024xi32>
      %eq3A_212 = arith.cmpi eq, %iota3A_11, %eq3A_211 : vector<1x1024xi32>
      %jit3A_213 = arith.constant 0xFF800000 : f32
      %broadcast_in_dim3A_214 = vector.broadcast %jit3A_213 : f32 to vector<1x1024xf32>
      %select_n3A_215 = arith.select %eq3A_212, %broadcast_in_dim3A_214, %get3A_200 : vector<1x1024xi1>, vector<1x1024xf32>
      %swap3A_216 = arith.index_cast %reduce_min3A_197 : i32 to index
      %swap3A_217 = arith.constant 0 : index
      %swap3A_218 = vector.load %arg5[%swap3A_216, %swap3A_217] : memref<98x1024xf32, #tpu.memory_space<vmem>>, vector<1x1024xf32>
      tpu.vector_store %arg5[%swap3A_216, %swap3A_217], %select_n3A_215 {strides = array<i32>} : memref<98x1024xf32, #tpu.memory_space<vmem>>, vector<1x1024xf32>,
      %eq3A_219 = vector.broadcast %reduce_min3A_197 : i32 to vector<98x1xi32>
      %eq3A_220 = arith.cmpi eq, %iota3A, %eq3A_219 : vector<98x1xi32>
      %reduce_max3A_221 = vector.shape_cast %select_n3A_215 : vector<1x1024xf32> to vector<1x1x1024xf32>
      %reduce_max3A_222 = arith.constant dense<0xFF800000> : vector<1xf32>
      %reduce_max3A_223 = vector.multi_reduction <maximumf>, %reduce_max3A_221, %reduce_max3A_222 [1, 2] : vector<1x1x1024xf32> to vector<1xf32>
      %reduce_max3A_224 = vector.shape_cast %reduce_max3A_223 : vector<1xf32> to vector<1x1x1xf32>
      %reduce_max3A_225 = vector.extract %reduce_max3A_224[0, 0, 0] : f32 from vector<1x1x1xf32>
      %broadcast_in_dim3A_226 = vector.broadcast %reduce_max3A_225 : f32 to vector<98x1xf32>
      %select_n3A_227 = arith.select %eq3A_220, %broadcast_in_dim3A_226, %get3A_182 : vector<98x1xi1>, vector<98x1xf32>
      %swap3A_228 = arith.constant 0 : index
      %swap3A_229 = arith.constant 0 : index
      %swap3A_230 = vector.load %arg6[%swap3A_228, %swap3A_229] : memref<98x1xf32, #tpu.memory_space<vmem>>, vector<98x1xf32>
      tpu.vector_store %arg6[%swap3A_228, %swap3A_229], %select_n3A_227 {strides = array<i32>} : memref<98x1xf32, #tpu.memory_space<vmem>>, vector<98x1xf32>,
      %reshape3A_231 = vector.broadcast %reduce_max3A_187 : f32 to vector<1x1xf32>
      %swap3A_232 = arith.index_cast %add3A_179 : i32 to index
      %swap3A_233 = arith.constant 0 : index
      %swap3A_234 = vector.load %arg2[%swap3A_232, %swap3A_233] : memref<512x1xf32, #tpu.memory_space<vmem>>, vector<1x1xf32>
      tpu.vector_store %arg2[%swap3A_232, %swap3A_233], %reshape3A_231 {strides = array<i32>} : memref<512x1xf32, #tpu.memory_space<vmem>>, vector<1x1xf32>,
      %mul3A_235 = arith.constant 1024 : i32
      %mul3A_236 = arith.muli %reduce_min3A_197, %mul3A_235 : i32
      %add3A_237 = arith.addi %mul3A_236, %reduce_min3A_210 : i32
      %reshape3A_238 = vector.broadcast %add3A_237 : i32 to vector<1x1xi32>
      %swap3A_239 = arith.index_cast %add3A_179 : i32 to index
      %swap3A_240 = arith.constant 0 : index
      %swap3A_241 = vector.load %arg3[%swap3A_239, %swap3A_240] : memref<512x1xi32, #tpu.memory_space<vmem>>, vector<1x1xi32>
      tpu.vector_store %arg3[%swap3A_239, %swap3A_240], %reshape3A_238 {strides = array<i32>} : memref<512x1xi32, #tpu.memory_space<vmem>>, vector<1x1xi32>,
      %get3A_242 = arith.index_cast %reduce_min3A_197 : i32 to index
      %get3A_243 = arith.constant 0 : index
      %get3A_244 = vector.load %arg1[%get3A_242, %get3A_243] : memref<98x1024xi32, #tpu.memory_space<vmem>>, vector<1x1024xi32>
      %eq3A_245 = vector.broadcast %reduce_min3A_210 : i32 to vector<1x1024xi32>
      %eq3A_246 = arith.cmpi eq, %iota3A_11, %eq3A_245 : vector<1x1024xi32>
      %jit3A_247 = arith.constant 1073741824 : i32
      %broadcast_in_dim3A_248 = vector.broadcast %jit3A_247 : i32 to vector<1x1024xi32>
      %select_n3A_249 = arith.select %eq3A_246, %get3A_244, %broadcast_in_dim3A_248 : vector<1x1024xi1>, vector<1x1024xi32>
      %reduce_min3A_250 = vector.shape_cast %select_n3A_249 : vector<1x1024xi32> to vector<1x1x1024xi32>
      %reduce_min3A_251 = arith.constant dense<2147483647> : vector<1xi32>
      %reduce_min3A_252 = vector.multi_reduction <minsi>, %reduce_min3A_250, %reduce_min3A_251 [1, 2] : vector<1x1x1024xi32> to vector<1xi32>
      %reduce_min3A_253 = vector.shape_cast %reduce_min3A_252 : vector<1xi32> to vector<1x1x1xi32>
      %reduce_min3A_254 = vector.extract %reduce_min3A_253[0, 0, 0] : i32 from vector<1x1x1xi32>
      %reshape3A_255 = vector.broadcast %reduce_min3A_254 : i32 to vector<1x1xi32>
      %swap3A_256 = arith.index_cast %add3A_179 : i32 to index
      %swap3A_257 = arith.constant 0 : index
      %swap3A_258 = vector.load %arg4[%swap3A_256, %swap3A_257] : memref<512x1xi32, #tpu.memory_space<vmem>>, vector<1x1xi32>
      tpu.vector_store %arg4[%swap3A_256, %swap3A_257], %reshape3A_255 {strides = array<i32>} : memref<512x1xi32, #tpu.memory_space<vmem>>, vector<1x1xi32>,
      %mul3A_259 = arith.constant 8 : i32
      %mul3A_260 = arith.muli %scan3A_16, %mul3A_259 : i32
      %add3A_261 = arith.constant 3 : i32
      %add3A_262 = arith.addi %mul3A_260, %add3A_261 : i32
      %get3A_263 = arith.constant 0 : index
      %get3A_264 = arith.constant 0 : index
      %get3A_265 = vector.load %arg6[%get3A_263, %get3A_264] : memref<98x1xf32, #tpu.memory_space<vmem>>, vector<98x1xf32>
      %reduce_max3A_266 = vector.shape_cast %get3A_265 : vector<98x1xf32> to vector<1x98x1xf32>
      %reduce_max3A_267 = arith.constant dense<0xFF800000> : vector<1xf32>
      %reduce_max3A_268 = vector.multi_reduction <maximumf>, %reduce_max3A_266, %reduce_max3A_267 [1, 2] : vector<1x98x1xf32> to vector<1xf32>
      %reduce_max3A_269 = vector.shape_cast %reduce_max3A_268 : vector<1xf32> to vector<1x1x1xf32>
      %reduce_max3A_270 = vector.extract %reduce_max3A_269[0, 0, 0] : f32 from vector<1x1x1xf32>
      %eq3A_271 = vector.broadcast %reduce_max3A_270 : f32 to vector<98x1xf32>
      %eq3A_272 = arith.cmpf oeq, %get3A_265, %eq3A_271 : vector<98x1xf32>
      %jit3A_273 = arith.constant 1073741824 : i32
      %broadcast_in_dim3A_274 = vector.broadcast %jit3A_273 : i32 to vector<98x1xi32>
      %select_n3A_275 = arith.select %eq3A_272, %iota3A, %broadcast_in_dim3A_274 : vector<98x1xi1>, vector<98x1xi32>
      %reduce_min3A_276 = vector.shape_cast %select_n3A_275 : vector<98x1xi32> to vector<1x98x1xi32>
      %reduce_min3A_277 = arith.constant dense<2147483647> : vector<1xi32>
      %reduce_min3A_278 = vector.multi_reduction <minsi>, %reduce_min3A_276, %reduce_min3A_277 [1, 2] : vector<1x98x1xi32> to vector<1xi32>
      %reduce_min3A_279 = vector.shape_cast %reduce_min3A_278 : vector<1xi32> to vector<1x1x1xi32>
      %reduce_min3A_280 = vector.extract %reduce_min3A_279[0, 0, 0] : i32 from vector<1x1x1xi32>
      %get3A_281 = arith.index_cast %reduce_min3A_280 : i32 to index
      %get3A_282 = arith.constant 0 : index
      %get3A_283 = vector.load %arg5[%get3A_281, %get3A_282] : memref<98x1024xf32, #tpu.memory_space<vmem>>, vector<1x1024xf32>
      %eq3A_284 = vector.broadcast %reduce_max3A_270 : f32 to vector<1x1024xf32>
      %eq3A_285 = arith.cmpf oeq, %get3A_283, %eq3A_284 : vector<1x1024xf32>
      %jit3A_286 = arith.constant 1073741824 : i32
      %broadcast_in_dim3A_287 = vector.broadcast %jit3A_286 : i32 to vector<1x1024xi32>
      %select_n3A_288 = arith.select %eq3A_285, %iota3A_11, %broadcast_in_dim3A_287 : vector<1x1024xi1>, vector<1x1024xi32>
      %reduce_min3A_289 = vector.shape_cast %select_n3A_288 : vector<1x1024xi32> to vector<1x1x1024xi32>
      %reduce_min3A_290 = arith.constant dense<2147483647> : vector<1xi32>
      %reduce_min3A_291 = vector.multi_reduction <minsi>, %reduce_min3A_289, %reduce_min3A_290 [1, 2] : vector<1x1x1024xi32> to vector<1xi32>
      %reduce_min3A_292 = vector.shape_cast %reduce_min3A_291 : vector<1xi32> to vector<1x1x1xi32>
      %reduce_min3A_293 = vector.extract %reduce_min3A_292[0, 0, 0] : i32 from vector<1x1x1xi32>
      %eq3A_294 = vector.broadcast %reduce_min3A_293 : i32 to vector<1x1024xi32>
      %eq3A_295 = arith.cmpi eq, %iota3A_11, %eq3A_294 : vector<1x1024xi32>
      %jit3A_296 = arith.constant 0xFF800000 : f32
      %broadcast_in_dim3A_297 = vector.broadcast %jit3A_296 : f32 to vector<1x1024xf32>
      %select_n3A_298 = arith.select %eq3A_295, %broadcast_in_dim3A_297, %get3A_283 : vector<1x1024xi1>, vector<1x1024xf32>
      %swap3A_299 = arith.index_cast %reduce_min3A_280 : i32 to index
      %swap3A_300 = arith.constant 0 : index
      %swap3A_301 = vector.load %arg5[%swap3A_299, %swap3A_300] : memref<98x1024xf32, #tpu.memory_space<vmem>>, vector<1x1024xf32>
      tpu.vector_store %arg5[%swap3A_299, %swap3A_300], %select_n3A_298 {strides = array<i32>} : memref<98x1024xf32, #tpu.memory_space<vmem>>, vector<1x1024xf32>,
      %eq3A_302 = vector.broadcast %reduce_min3A_280 : i32 to vector<98x1xi32>
      %eq3A_303 = arith.cmpi eq, %iota3A, %eq3A_302 : vector<98x1xi32>
      %reduce_max3A_304 = vector.shape_cast %select_n3A_298 : vector<1x1024xf32> to vector<1x1x1024xf32>
      %reduce_max3A_305 = arith.constant dense<0xFF800000> : vector<1xf32>
      %reduce_max3A_306 = vector.multi_reduction <maximumf>, %reduce_max3A_304, %reduce_max3A_305 [1, 2] : vector<1x1x1024xf32> to vector<1xf32>
      %reduce_max3A_307 = vector.shape_cast %reduce_max3A_306 : vector<1xf32> to vector<1x1x1xf32>
      %reduce_max3A_308 = vector.extract %reduce_max3A_307[0, 0, 0] : f32 from vector<1x1x1xf32>
      %broadcast_in_dim3A_309 = vector.broadcast %reduce_max3A_308 : f32 to vector<98x1xf32>
      %select_n3A_310 = arith.select %eq3A_303, %broadcast_in_dim3A_309, %get3A_265 : vector<98x1xi1>, vector<98x1xf32>
      %swap3A_311 = arith.constant 0 : index
      %swap3A_312 = arith.constant 0 : index
      %swap3A_313 = vector.load %arg6[%swap3A_311, %swap3A_312] : memref<98x1xf32, #tpu.memory_space<vmem>>, vector<98x1xf32>
      tpu.vector_store %arg6[%swap3A_311, %swap3A_312], %select_n3A_310 {strides = array<i32>} : memref<98x1xf32, #tpu.memory_space<vmem>>, vector<98x1xf32>,
      %reshape3A_314 = vector.broadcast %reduce_max3A_270 : f32 to vector<1x1xf32>
      %swap3A_315 = arith.index_cast %add3A_262 : i32 to index
      %swap3A_316 = arith.constant 0 : index
      %swap3A_317 = vector.load %arg2[%swap3A_315, %swap3A_316] : memref<512x1xf32, #tpu.memory_space<vmem>>, vector<1x1xf32>
      tpu.vector_store %arg2[%swap3A_315, %swap3A_316], %reshape3A_314 {strides = array<i32>} : memref<512x1xf32, #tpu.memory_space<vmem>>, vector<1x1xf32>,
      %mul3A_318 = arith.constant 1024 : i32
      %mul3A_319 = arith.muli %reduce_min3A_280, %mul3A_318 : i32
      %add3A_320 = arith.addi %mul3A_319, %reduce_min3A_293 : i32
      %reshape3A_321 = vector.broadcast %add3A_320 : i32 to vector<1x1xi32>
      %swap3A_322 = arith.index_cast %add3A_262 : i32 to index
      %swap3A_323 = arith.constant 0 : index
      %swap3A_324 = vector.load %arg3[%swap3A_322, %swap3A_323] : memref<512x1xi32, #tpu.memory_space<vmem>>, vector<1x1xi32>
      tpu.vector_store %arg3[%swap3A_322, %swap3A_323], %reshape3A_321 {strides = array<i32>} : memref<512x1xi32, #tpu.memory_space<vmem>>, vector<1x1xi32>,
      %get3A_325 = arith.index_cast %reduce_min3A_280 : i32 to index
      %get3A_326 = arith.constant 0 : index
      %get3A_327 = vector.load %arg1[%get3A_325, %get3A_326] : memref<98x1024xi32, #tpu.memory_space<vmem>>, vector<1x1024xi32>
      %eq3A_328 = vector.broadcast %reduce_min3A_293 : i32 to vector<1x1024xi32>
      %eq3A_329 = arith.cmpi eq, %iota3A_11, %eq3A_328 : vector<1x1024xi32>
      %jit3A_330 = arith.constant 1073741824 : i32
      %broadcast_in_dim3A_331 = vector.broadcast %jit3A_330 : i32 to vector<1x1024xi32>
      %select_n3A_332 = arith.select %eq3A_329, %get3A_327, %broadcast_in_dim3A_331 : vector<1x1024xi1>, vector<1x1024xi32>
      %reduce_min3A_333 = vector.shape_cast %select_n3A_332 : vector<1x1024xi32> to vector<1x1x1024xi32>
      %reduce_min3A_334 = arith.constant dense<2147483647> : vector<1xi32>
      %reduce_min3A_335 = vector.multi_reduction <minsi>, %reduce_min3A_333, %reduce_min3A_334 [1, 2] : vector<1x1x1024xi32> to vector<1xi32>
      %reduce_min3A_336 = vector.shape_cast %reduce_min3A_335 : vector<1xi32> to vector<1x1x1xi32>
      %reduce_min3A_337 = vector.extract %reduce_min3A_336[0, 0, 0] : i32 from vector<1x1x1xi32>
      %reshape3A_338 = vector.broadcast %reduce_min3A_337 : i32 to vector<1x1xi32>
      %swap3A_339 = arith.index_cast %add3A_262 : i32 to index
      %swap3A_340 = arith.constant 0 : index
      %swap3A_341 = vector.load %arg4[%swap3A_339, %swap3A_340] : memref<512x1xi32, #tpu.memory_space<vmem>>, vector<1x1xi32>
      tpu.vector_store %arg4[%swap3A_339, %swap3A_340], %reshape3A_338 {strides = array<i32>} : memref<512x1xi32, #tpu.memory_space<vmem>>, vector<1x1xi32>,
      %mul3A_342 = arith.constant 8 : i32
      %mul3A_343 = arith.muli %scan3A_16, %mul3A_342 : i32
      %add3A_344 = arith.constant 4 : i32
      %add3A_345 = arith.addi %mul3A_343, %add3A_344 : i32
      %get3A_346 = arith.constant 0 : index
      %get3A_347 = arith.constant 0 : index
      %get3A_348 = vector.load %arg6[%get3A_346, %get3A_347] : memref<98x1xf32, #tpu.memory_space<vmem>>, vector<98x1xf32>
      %reduce_max3A_349 = vector.shape_cast %get3A_348 : vector<98x1xf32> to vector<1x98x1xf32>
      %reduce_max3A_350 = arith.constant dense<0xFF800000> : vector<1xf32>
      %reduce_max3A_351 = vector.multi_reduction <maximumf>, %reduce_max3A_349, %reduce_max3A_350 [1, 2] : vector<1x98x1xf32> to vector<1xf32>
      %reduce_max3A_352 = vector.shape_cast %reduce_max3A_351 : vector<1xf32> to vector<1x1x1xf32>
      %reduce_max3A_353 = vector.extract %reduce_max3A_352[0, 0, 0] : f32 from vector<1x1x1xf32>
      %eq3A_354 = vector.broadcast %reduce_max3A_353 : f32 to vector<98x1xf32>
      %eq3A_355 = arith.cmpf oeq, %get3A_348, %eq3A_354 : vector<98x1xf32>
      %jit3A_356 = arith.constant 1073741824 : i32
      %broadcast_in_dim3A_357 = vector.broadcast %jit3A_356 : i32 to vector<98x1xi32>
      %select_n3A_358 = arith.select %eq3A_355, %iota3A, %broadcast_in_dim3A_357 : vector<98x1xi1>, vector<98x1xi32>
      %reduce_min3A_359 = vector.shape_cast %select_n3A_358 : vector<98x1xi32> to vector<1x98x1xi32>
      %reduce_min3A_360 = arith.constant dense<2147483647> : vector<1xi32>
      %reduce_min3A_361 = vector.multi_reduction <minsi>, %reduce_min3A_359, %reduce_min3A_360 [1, 2] : vector<1x98x1xi32> to vector<1xi32>
      %reduce_min3A_362 = vector.shape_cast %reduce_min3A_361 : vector<1xi32> to vector<1x1x1xi32>
      %reduce_min3A_363 = vector.extract %reduce_min3A_362[0, 0, 0] : i32 from vector<1x1x1xi32>
      %get3A_364 = arith.index_cast %reduce_min3A_363 : i32 to index
      %get3A_365 = arith.constant 0 : index
      %get3A_366 = vector.load %arg5[%get3A_364, %get3A_365] : memref<98x1024xf32, #tpu.memory_space<vmem>>, vector<1x1024xf32>
      %eq3A_367 = vector.broadcast %reduce_max3A_353 : f32 to vector<1x1024xf32>
      %eq3A_368 = arith.cmpf oeq, %get3A_366, %eq3A_367 : vector<1x1024xf32>
      %jit3A_369 = arith.constant 1073741824 : i32
      %broadcast_in_dim3A_370 = vector.broadcast %jit3A_369 : i32 to vector<1x1024xi32>
      %select_n3A_371 = arith.select %eq3A_368, %iota3A_11, %broadcast_in_dim3A_370 : vector<1x1024xi1>, vector<1x1024xi32>
      %reduce_min3A_372 = vector.shape_cast %select_n3A_371 : vector<1x1024xi32> to vector<1x1x1024xi32>
      %reduce_min3A_373 = arith.constant dense<2147483647> : vector<1xi32>
      %reduce_min3A_374 = vector.multi_reduction <minsi>, %reduce_min3A_372, %reduce_min3A_373 [1, 2] : vector<1x1x1024xi32> to vector<1xi32>
      %reduce_min3A_375 = vector.shape_cast %reduce_min3A_374 : vector<1xi32> to vector<1x1x1xi32>
      %reduce_min3A_376 = vector.extract %reduce_min3A_375[0, 0, 0] : i32 from vector<1x1x1xi32>
      %eq3A_377 = vector.broadcast %reduce_min3A_376 : i32 to vector<1x1024xi32>
      %eq3A_378 = arith.cmpi eq, %iota3A_11, %eq3A_377 : vector<1x1024xi32>
      %jit3A_379 = arith.constant 0xFF800000 : f32
      %broadcast_in_dim3A_380 = vector.broadcast %jit3A_379 : f32 to vector<1x1024xf32>
      %select_n3A_381 = arith.select %eq3A_378, %broadcast_in_dim3A_380, %get3A_366 : vector<1x1024xi1>, vector<1x1024xf32>
      %swap3A_382 = arith.index_cast %reduce_min3A_363 : i32 to index
      %swap3A_383 = arith.constant 0 : index
      %swap3A_384 = vector.load %arg5[%swap3A_382, %swap3A_383] : memref<98x1024xf32, #tpu.memory_space<vmem>>, vector<1x1024xf32>
      tpu.vector_store %arg5[%swap3A_382, %swap3A_383], %select_n3A_381 {strides = array<i32>} : memref<98x1024xf32, #tpu.memory_space<vmem>>, vector<1x1024xf32>,
      %eq3A_385 = vector.broadcast %reduce_min3A_363 : i32 to vector<98x1xi32>
      %eq3A_386 = arith.cmpi eq, %iota3A, %eq3A_385 : vector<98x1xi32>
      %reduce_max3A_387 = vector.shape_cast %select_n3A_381 : vector<1x1024xf32> to vector<1x1x1024xf32>
      %reduce_max3A_388 = arith.constant dense<0xFF800000> : vector<1xf32>
      %reduce_max3A_389 = vector.multi_reduction <maximumf>, %reduce_max3A_387, %reduce_max3A_388 [1, 2] : vector<1x1x1024xf32> to vector<1xf32>
      %reduce_max3A_390 = vector.shape_cast %reduce_max3A_389 : vector<1xf32> to vector<1x1x1xf32>
      %reduce_max3A_391 = vector.extract %reduce_max3A_390[0, 0, 0] : f32 from vector<1x1x1xf32>
      %broadcast_in_dim3A_392 = vector.broadcast %reduce_max3A_391 : f32 to vector<98x1xf32>
      %select_n3A_393 = arith.select %eq3A_386, %broadcast_in_dim3A_392, %get3A_348 : vector<98x1xi1>, vector<98x1xf32>
      %swap3A_394 = arith.constant 0 : index
      %swap3A_395 = arith.constant 0 : index
      %swap3A_396 = vector.load %arg6[%swap3A_394, %swap3A_395] : memref<98x1xf32, #tpu.memory_space<vmem>>, vector<98x1xf32>
      tpu.vector_store %arg6[%swap3A_394, %swap3A_395], %select_n3A_393 {strides = array<i32>} : memref<98x1xf32, #tpu.memory_space<vmem>>, vector<98x1xf32>,
      %reshape3A_397 = vector.broadcast %reduce_max3A_353 : f32 to vector<1x1xf32>
      %swap3A_398 = arith.index_cast %add3A_345 : i32 to index
      %swap3A_399 = arith.constant 0 : index
      %swap3A_400 = vector.load %arg2[%swap3A_398, %swap3A_399] : memref<512x1xf32, #tpu.memory_space<vmem>>, vector<1x1xf32>
      tpu.vector_store %arg2[%swap3A_398, %swap3A_399], %reshape3A_397 {strides = array<i32>} : memref<512x1xf32, #tpu.memory_space<vmem>>, vector<1x1xf32>,
      %mul3A_401 = arith.constant 1024 : i32
      %mul3A_402 = arith.muli %reduce_min3A_363, %mul3A_401 : i32
      %add3A_403 = arith.addi %mul3A_402, %reduce_min3A_376 : i32
      %reshape3A_404 = vector.broadcast %add3A_403 : i32 to vector<1x1xi32>
      %swap3A_405 = arith.index_cast %add3A_345 : i32 to index
      %swap3A_406 = arith.constant 0 : index
      %swap3A_407 = vector.load %arg3[%swap3A_405, %swap3A_406] : memref<512x1xi32, #tpu.memory_space<vmem>>, vector<1x1xi32>
      tpu.vector_store %arg3[%swap3A_405, %swap3A_406], %reshape3A_404 {strides = array<i32>} : memref<512x1xi32, #tpu.memory_space<vmem>>, vector<1x1xi32>,
      %get3A_408 = arith.index_cast %reduce_min3A_363 : i32 to index
      %get3A_409 = arith.constant 0 : index
      %get3A_410 = vector.load %arg1[%get3A_408, %get3A_409] : memref<98x1024xi32, #tpu.memory_space<vmem>>, vector<1x1024xi32>
      %eq3A_411 = vector.broadcast %reduce_min3A_376 : i32 to vector<1x1024xi32>
      %eq3A_412 = arith.cmpi eq, %iota3A_11, %eq3A_411 : vector<1x1024xi32>
      %jit3A_413 = arith.constant 1073741824 : i32
      %broadcast_in_dim3A_414 = vector.broadcast %jit3A_413 : i32 to vector<1x1024xi32>
      %select_n3A_415 = arith.select %eq3A_412, %get3A_410, %broadcast_in_dim3A_414 : vector<1x1024xi1>, vector<1x1024xi32>
      %reduce_min3A_416 = vector.shape_cast %select_n3A_415 : vector<1x1024xi32> to vector<1x1x1024xi32>
      %reduce_min3A_417 = arith.constant dense<2147483647> : vector<1xi32>
      %reduce_min3A_418 = vector.multi_reduction <minsi>, %reduce_min3A_416, %reduce_min3A_417 [1, 2] : vector<1x1x1024xi32> to vector<1xi32>
      %reduce_min3A_419 = vector.shape_cast %reduce_min3A_418 : vector<1xi32> to vector<1x1x1xi32>
      %reduce_min3A_420 = vector.extract %reduce_min3A_419[0, 0, 0] : i32 from vector<1x1x1xi32>
      %reshape3A_421 = vector.broadcast %reduce_min3A_420 : i32 to vector<1x1xi32>
      %swap3A_422 = arith.index_cast %add3A_345 : i32 to index
      %swap3A_423 = arith.constant 0 : index
      %swap3A_424 = vector.load %arg4[%swap3A_422, %swap3A_423] : memref<512x1xi32, #tpu.memory_space<vmem>>, vector<1x1xi32>
      tpu.vector_store %arg4[%swap3A_422, %swap3A_423], %reshape3A_421 {strides = array<i32>} : memref<512x1xi32, #tpu.memory_space<vmem>>, vector<1x1xi32>,
      %mul3A_425 = arith.constant 8 : i32
      %mul3A_426 = arith.muli %scan3A_16, %mul3A_425 : i32
      %add3A_427 = arith.constant 5 : i32
      %add3A_428 = arith.addi %mul3A_426, %add3A_427 : i32
      %get3A_429 = arith.constant 0 : index
      %get3A_430 = arith.constant 0 : index
      %get3A_431 = vector.load %arg6[%get3A_429, %get3A_430] : memref<98x1xf32, #tpu.memory_space<vmem>>, vector<98x1xf32>
      %reduce_max3A_432 = vector.shape_cast %get3A_431 : vector<98x1xf32> to vector<1x98x1xf32>
      %reduce_max3A_433 = arith.constant dense<0xFF800000> : vector<1xf32>
      %reduce_max3A_434 = vector.multi_reduction <maximumf>, %reduce_max3A_432, %reduce_max3A_433 [1, 2] : vector<1x98x1xf32> to vector<1xf32>
      %reduce_max3A_435 = vector.shape_cast %reduce_max3A_434 : vector<1xf32> to vector<1x1x1xf32>
      %reduce_max3A_436 = vector.extract %reduce_max3A_435[0, 0, 0] : f32 from vector<1x1x1xf32>
      %eq3A_437 = vector.broadcast %reduce_max3A_436 : f32 to vector<98x1xf32>
      %eq3A_438 = arith.cmpf oeq, %get3A_431, %eq3A_437 : vector<98x1xf32>
      %jit3A_439 = arith.constant 1073741824 : i32
      %broadcast_in_dim3A_440 = vector.broadcast %jit3A_439 : i32 to vector<98x1xi32>
      %select_n3A_441 = arith.select %eq3A_438, %iota3A, %broadcast_in_dim3A_440 : vector<98x1xi1>, vector<98x1xi32>
      %reduce_min3A_442 = vector.shape_cast %select_n3A_441 : vector<98x1xi32> to vector<1x98x1xi32>
      %reduce_min3A_443 = arith.constant dense<2147483647> : vector<1xi32>
      %reduce_min3A_444 = vector.multi_reduction <minsi>, %reduce_min3A_442, %reduce_min3A_443 [1, 2] : vector<1x98x1xi32> to vector<1xi32>
      %reduce_min3A_445 = vector.shape_cast %reduce_min3A_444 : vector<1xi32> to vector<1x1x1xi32>
      %reduce_min3A_446 = vector.extract %reduce_min3A_445[0, 0, 0] : i32 from vector<1x1x1xi32>
      %get3A_447 = arith.index_cast %reduce_min3A_446 : i32 to index
      %get3A_448 = arith.constant 0 : index
      %get3A_449 = vector.load %arg5[%get3A_447, %get3A_448] : memref<98x1024xf32, #tpu.memory_space<vmem>>, vector<1x1024xf32>
      %eq3A_450 = vector.broadcast %reduce_max3A_436 : f32 to vector<1x1024xf32>
      %eq3A_451 = arith.cmpf oeq, %get3A_449, %eq3A_450 : vector<1x1024xf32>
      %jit3A_452 = arith.constant 1073741824 : i32
      %broadcast_in_dim3A_453 = vector.broadcast %jit3A_452 : i32 to vector<1x1024xi32>
      %select_n3A_454 = arith.select %eq3A_451, %iota3A_11, %broadcast_in_dim3A_453 : vector<1x1024xi1>, vector<1x1024xi32>
      %reduce_min3A_455 = vector.shape_cast %select_n3A_454 : vector<1x1024xi32> to vector<1x1x1024xi32>
      %reduce_min3A_456 = arith.constant dense<2147483647> : vector<1xi32>
      %reduce_min3A_457 = vector.multi_reduction <minsi>, %reduce_min3A_455, %reduce_min3A_456 [1, 2] : vector<1x1x1024xi32> to vector<1xi32>
      %reduce_min3A_458 = vector.shape_cast %reduce_min3A_457 : vector<1xi32> to vector<1x1x1xi32>
      %reduce_min3A_459 = vector.extract %reduce_min3A_458[0, 0, 0] : i32 from vector<1x1x1xi32>
      %eq3A_460 = vector.broadcast %reduce_min3A_459 : i32 to vector<1x1024xi32>
      %eq3A_461 = arith.cmpi eq, %iota3A_11, %eq3A_460 : vector<1x1024xi32>
      %jit3A_462 = arith.constant 0xFF800000 : f32
      %broadcast_in_dim3A_463 = vector.broadcast %jit3A_462 : f32 to vector<1x1024xf32>
      %select_n3A_464 = arith.select %eq3A_461, %broadcast_in_dim3A_463, %get3A_449 : vector<1x1024xi1>, vector<1x1024xf32>
      %swap3A_465 = arith.index_cast %reduce_min3A_446 : i32 to index
      %swap3A_466 = arith.constant 0 : index
      %swap3A_467 = vector.load %arg5[%swap3A_465, %swap3A_466] : memref<98x1024xf32, #tpu.memory_space<vmem>>, vector<1x1024xf32>
      tpu.vector_store %arg5[%swap3A_465, %swap3A_466], %select_n3A_464 {strides = array<i32>} : memref<98x1024xf32, #tpu.memory_space<vmem>>, vector<1x1024xf32>,
      %eq3A_468 = vector.broadcast %reduce_min3A_446 : i32 to vector<98x1xi32>
      %eq3A_469 = arith.cmpi eq, %iota3A, %eq3A_468 : vector<98x1xi32>
      %reduce_max3A_470 = vector.shape_cast %select_n3A_464 : vector<1x1024xf32> to vector<1x1x1024xf32>
      %reduce_max3A_471 = arith.constant dense<0xFF800000> : vector<1xf32>
      %reduce_max3A_472 = vector.multi_reduction <maximumf>, %reduce_max3A_470, %reduce_max3A_471 [1, 2] : vector<1x1x1024xf32> to vector<1xf32>
      %reduce_max3A_473 = vector.shape_cast %reduce_max3A_472 : vector<1xf32> to vector<1x1x1xf32>
      %reduce_max3A_474 = vector.extract %reduce_max3A_473[0, 0, 0] : f32 from vector<1x1x1xf32>
      %broadcast_in_dim3A_475 = vector.broadcast %reduce_max3A_474 : f32 to vector<98x1xf32>
      %select_n3A_476 = arith.select %eq3A_469, %broadcast_in_dim3A_475, %get3A_431 : vector<98x1xi1>, vector<98x1xf32>
      %swap3A_477 = arith.constant 0 : index
      %swap3A_478 = arith.constant 0 : index
      %swap3A_479 = vector.load %arg6[%swap3A_477, %swap3A_478] : memref<98x1xf32, #tpu.memory_space<vmem>>, vector<98x1xf32>
      tpu.vector_store %arg6[%swap3A_477, %swap3A_478], %select_n3A_476 {strides = array<i32>} : memref<98x1xf32, #tpu.memory_space<vmem>>, vector<98x1xf32>,
      %reshape3A_480 = vector.broadcast %reduce_max3A_436 : f32 to vector<1x1xf32>
      %swap3A_481 = arith.index_cast %add3A_428 : i32 to index
      %swap3A_482 = arith.constant 0 : index
      %swap3A_483 = vector.load %arg2[%swap3A_481, %swap3A_482] : memref<512x1xf32, #tpu.memory_space<vmem>>, vector<1x1xf32>
      tpu.vector_store %arg2[%swap3A_481, %swap3A_482], %reshape3A_480 {strides = array<i32>} : memref<512x1xf32, #tpu.memory_space<vmem>>, vector<1x1xf32>,
      %mul3A_484 = arith.constant 1024 : i32
      %mul3A_485 = arith.muli %reduce_min3A_446, %mul3A_484 : i32
      %add3A_486 = arith.addi %mul3A_485, %reduce_min3A_459 : i32
      %reshape3A_487 = vector.broadcast %add3A_486 : i32 to vector<1x1xi32>
      %swap3A_488 = arith.index_cast %add3A_428 : i32 to index
      %swap3A_489 = arith.constant 0 : index
      %swap3A_490 = vector.load %arg3[%swap3A_488, %swap3A_489] : memref<512x1xi32, #tpu.memory_space<vmem>>, vector<1x1xi32>
      tpu.vector_store %arg3[%swap3A_488, %swap3A_489], %reshape3A_487 {strides = array<i32>} : memref<512x1xi32, #tpu.memory_space<vmem>>, vector<1x1xi32>,
      %get3A_491 = arith.index_cast %reduce_min3A_446 : i32 to index
      %get3A_492 = arith.constant 0 : index
      %get3A_493 = vector.load %arg1[%get3A_491, %get3A_492] : memref<98x1024xi32, #tpu.memory_space<vmem>>, vector<1x1024xi32>
      %eq3A_494 = vector.broadcast %reduce_min3A_459 : i32 to vector<1x1024xi32>
      %eq3A_495 = arith.cmpi eq, %iota3A_11, %eq3A_494 : vector<1x1024xi32>
      %jit3A_496 = arith.constant 1073741824 : i32
      %broadcast_in_dim3A_497 = vector.broadcast %jit3A_496 : i32 to vector<1x1024xi32>
      %select_n3A_498 = arith.select %eq3A_495, %get3A_493, %broadcast_in_dim3A_497 : vector<1x1024xi1>, vector<1x1024xi32>
      %reduce_min3A_499 = vector.shape_cast %select_n3A_498 : vector<1x1024xi32> to vector<1x1x1024xi32>
      %reduce_min3A_500 = arith.constant dense<2147483647> : vector<1xi32>
      %reduce_min3A_501 = vector.multi_reduction <minsi>, %reduce_min3A_499, %reduce_min3A_500 [1, 2] : vector<1x1x1024xi32> to vector<1xi32>
      %reduce_min3A_502 = vector.shape_cast %reduce_min3A_501 : vector<1xi32> to vector<1x1x1xi32>
      %reduce_min3A_503 = vector.extract %reduce_min3A_502[0, 0, 0] : i32 from vector<1x1x1xi32>
      %reshape3A_504 = vector.broadcast %reduce_min3A_503 : i32 to vector<1x1xi32>
      %swap3A_505 = arith.index_cast %add3A_428 : i32 to index
      %swap3A_506 = arith.constant 0 : index
      %swap3A_507 = vector.load %arg4[%swap3A_505, %swap3A_506] : memref<512x1xi32, #tpu.memory_space<vmem>>, vector<1x1xi32>
      tpu.vector_store %arg4[%swap3A_505, %swap3A_506], %reshape3A_504 {strides = array<i32>} : memref<512x1xi32, #tpu.memory_space<vmem>>, vector<1x1xi32>,
      %mul3A_508 = arith.constant 8 : i32
      %mul3A_509 = arith.muli %scan3A_16, %mul3A_508 : i32
      %add3A_510 = arith.constant 6 : i32
      %add3A_511 = arith.addi %mul3A_509, %add3A_510 : i32
      %get3A_512 = arith.constant 0 : index
      %get3A_513 = arith.constant 0 : index
      %get3A_514 = vector.load %arg6[%get3A_512, %get3A_513] : memref<98x1xf32, #tpu.memory_space<vmem>>, vector<98x1xf32>
      %reduce_max3A_515 = vector.shape_cast %get3A_514 : vector<98x1xf32> to vector<1x98x1xf32>
      %reduce_max3A_516 = arith.constant dense<0xFF800000> : vector<1xf32>
      %reduce_max3A_517 = vector.multi_reduction <maximumf>, %reduce_max3A_515, %reduce_max3A_516 [1, 2] : vector<1x98x1xf32> to vector<1xf32>
      %reduce_max3A_518 = vector.shape_cast %reduce_max3A_517 : vector<1xf32> to vector<1x1x1xf32>
      %reduce_max3A_519 = vector.extract %reduce_max3A_518[0, 0, 0] : f32 from vector<1x1x1xf32>
      %eq3A_520 = vector.broadcast %reduce_max3A_519 : f32 to vector<98x1xf32>
      %eq3A_521 = arith.cmpf oeq, %get3A_514, %eq3A_520 : vector<98x1xf32>
      %jit3A_522 = arith.constant 1073741824 : i32
      %broadcast_in_dim3A_523 = vector.broadcast %jit3A_522 : i32 to vector<98x1xi32>
      %select_n3A_524 = arith.select %eq3A_521, %iota3A, %broadcast_in_dim3A_523 : vector<98x1xi1>, vector<98x1xi32>
      %reduce_min3A_525 = vector.shape_cast %select_n3A_524 : vector<98x1xi32> to vector<1x98x1xi32>
      %reduce_min3A_526 = arith.constant dense<2147483647> : vector<1xi32>
      %reduce_min3A_527 = vector.multi_reduction <minsi>, %reduce_min3A_525, %reduce_min3A_526 [1, 2] : vector<1x98x1xi32> to vector<1xi32>
      %reduce_min3A_528 = vector.shape_cast %reduce_min3A_527 : vector<1xi32> to vector<1x1x1xi32>
      %reduce_min3A_529 = vector.extract %reduce_min3A_528[0, 0, 0] : i32 from vector<1x1x1xi32>
      %get3A_530 = arith.index_cast %reduce_min3A_529 : i32 to index
      %get3A_531 = arith.constant 0 : index
      %get3A_532 = vector.load %arg5[%get3A_530, %get3A_531] : memref<98x1024xf32, #tpu.memory_space<vmem>>, vector<1x1024xf32>
      %eq3A_533 = vector.broadcast %reduce_max3A_519 : f32 to vector<1x1024xf32>
      %eq3A_534 = arith.cmpf oeq, %get3A_532, %eq3A_533 : vector<1x1024xf32>
      %jit3A_535 = arith.constant 1073741824 : i32
      %broadcast_in_dim3A_536 = vector.broadcast %jit3A_535 : i32 to vector<1x1024xi32>
      %select_n3A_537 = arith.select %eq3A_534, %iota3A_11, %broadcast_in_dim3A_536 : vector<1x1024xi1>, vector<1x1024xi32>
      %reduce_min3A_538 = vector.shape_cast %select_n3A_537 : vector<1x1024xi32> to vector<1x1x1024xi32>
      %reduce_min3A_539 = arith.constant dense<2147483647> : vector<1xi32>
      %reduce_min3A_540 = vector.multi_reduction <minsi>, %reduce_min3A_538, %reduce_min3A_539 [1, 2] : vector<1x1x1024xi32> to vector<1xi32>
      %reduce_min3A_541 = vector.shape_cast %reduce_min3A_540 : vector<1xi32> to vector<1x1x1xi32>
      %reduce_min3A_542 = vector.extract %reduce_min3A_541[0, 0, 0] : i32 from vector<1x1x1xi32>
      %eq3A_543 = vector.broadcast %reduce_min3A_542 : i32 to vector<1x1024xi32>
      %eq3A_544 = arith.cmpi eq, %iota3A_11, %eq3A_543 : vector<1x1024xi32>
      %jit3A_545 = arith.constant 0xFF800000 : f32
      %broadcast_in_dim3A_546 = vector.broadcast %jit3A_545 : f32 to vector<1x1024xf32>
      %select_n3A_547 = arith.select %eq3A_544, %broadcast_in_dim3A_546, %get3A_532 : vector<1x1024xi1>, vector<1x1024xf32>
      %swap3A_548 = arith.index_cast %reduce_min3A_529 : i32 to index
      %swap3A_549 = arith.constant 0 : index
      %swap3A_550 = vector.load %arg5[%swap3A_548, %swap3A_549] : memref<98x1024xf32, #tpu.memory_space<vmem>>, vector<1x1024xf32>
      tpu.vector_store %arg5[%swap3A_548, %swap3A_549], %select_n3A_547 {strides = array<i32>} : memref<98x1024xf32, #tpu.memory_space<vmem>>, vector<1x1024xf32>,
      %eq3A_551 = vector.broadcast %reduce_min3A_529 : i32 to vector<98x1xi32>
      %eq3A_552 = arith.cmpi eq, %iota3A, %eq3A_551 : vector<98x1xi32>
      %reduce_max3A_553 = vector.shape_cast %select_n3A_547 : vector<1x1024xf32> to vector<1x1x1024xf32>
      %reduce_max3A_554 = arith.constant dense<0xFF800000> : vector<1xf32>
      %reduce_max3A_555 = vector.multi_reduction <maximumf>, %reduce_max3A_553, %reduce_max3A_554 [1, 2] : vector<1x1x1024xf32> to vector<1xf32>
      %reduce_max3A_556 = vector.shape_cast %reduce_max3A_555 : vector<1xf32> to vector<1x1x1xf32>
      %reduce_max3A_557 = vector.extract %reduce_max3A_556[0, 0, 0] : f32 from vector<1x1x1xf32>
      %broadcast_in_dim3A_558 = vector.broadcast %reduce_max3A_557 : f32 to vector<98x1xf32>
      %select_n3A_559 = arith.select %eq3A_552, %broadcast_in_dim3A_558, %get3A_514 : vector<98x1xi1>, vector<98x1xf32>
      %swap3A_560 = arith.constant 0 : index
      %swap3A_561 = arith.constant 0 : index
      %swap3A_562 = vector.load %arg6[%swap3A_560, %swap3A_561] : memref<98x1xf32, #tpu.memory_space<vmem>>, vector<98x1xf32>
      tpu.vector_store %arg6[%swap3A_560, %swap3A_561], %select_n3A_559 {strides = array<i32>} : memref<98x1xf32, #tpu.memory_space<vmem>>, vector<98x1xf32>,
      %reshape3A_563 = vector.broadcast %reduce_max3A_519 : f32 to vector<1x1xf32>
      %swap3A_564 = arith.index_cast %add3A_511 : i32 to index
      %swap3A_565 = arith.constant 0 : index
      %swap3A_566 = vector.load %arg2[%swap3A_564, %swap3A_565] : memref<512x1xf32, #tpu.memory_space<vmem>>, vector<1x1xf32>
      tpu.vector_store %arg2[%swap3A_564, %swap3A_565], %reshape3A_563 {strides = array<i32>} : memref<512x1xf32, #tpu.memory_space<vmem>>, vector<1x1xf32>,
      %mul3A_567 = arith.constant 1024 : i32
      %mul3A_568 = arith.muli %reduce_min3A_529, %mul3A_567 : i32
      %add3A_569 = arith.addi %mul3A_568, %reduce_min3A_542 : i32
      %reshape3A_570 = vector.broadcast %add3A_569 : i32 to vector<1x1xi32>
      %swap3A_571 = arith.index_cast %add3A_511 : i32 to index
      %swap3A_572 = arith.constant 0 : index
      %swap3A_573 = vector.load %arg3[%swap3A_571, %swap3A_572] : memref<512x1xi32, #tpu.memory_space<vmem>>, vector<1x1xi32>
      tpu.vector_store %arg3[%swap3A_571, %swap3A_572], %reshape3A_570 {strides = array<i32>} : memref<512x1xi32, #tpu.memory_space<vmem>>, vector<1x1xi32>,
      %get3A_574 = arith.index_cast %reduce_min3A_529 : i32 to index
      %get3A_575 = arith.constant 0 : index
      %get3A_576 = vector.load %arg1[%get3A_574, %get3A_575] : memref<98x1024xi32, #tpu.memory_space<vmem>>, vector<1x1024xi32>
      %eq3A_577 = vector.broadcast %reduce_min3A_542 : i32 to vector<1x1024xi32>
      %eq3A_578 = arith.cmpi eq, %iota3A_11, %eq3A_577 : vector<1x1024xi32>
      %jit3A_579 = arith.constant 1073741824 : i32
      %broadcast_in_dim3A_580 = vector.broadcast %jit3A_579 : i32 to vector<1x1024xi32>
      %select_n3A_581 = arith.select %eq3A_578, %get3A_576, %broadcast_in_dim3A_580 : vector<1x1024xi1>, vector<1x1024xi32>
      %reduce_min3A_582 = vector.shape_cast %select_n3A_581 : vector<1x1024xi32> to vector<1x1x1024xi32>
      %reduce_min3A_583 = arith.constant dense<2147483647> : vector<1xi32>
      %reduce_min3A_584 = vector.multi_reduction <minsi>, %reduce_min3A_582, %reduce_min3A_583 [1, 2] : vector<1x1x1024xi32> to vector<1xi32>
      %reduce_min3A_585 = vector.shape_cast %reduce_min3A_584 : vector<1xi32> to vector<1x1x1xi32>
      %reduce_min3A_586 = vector.extract %reduce_min3A_585[0, 0, 0] : i32 from vector<1x1x1xi32>
      %reshape3A_587 = vector.broadcast %reduce_min3A_586 : i32 to vector<1x1xi32>
      %swap3A_588 = arith.index_cast %add3A_511 : i32 to index
      %swap3A_589 = arith.constant 0 : index
      %swap3A_590 = vector.load %arg4[%swap3A_588, %swap3A_589] : memref<512x1xi32, #tpu.memory_space<vmem>>, vector<1x1xi32>
      tpu.vector_store %arg4[%swap3A_588, %swap3A_589], %reshape3A_587 {strides = array<i32>} : memref<512x1xi32, #tpu.memory_space<vmem>>, vector<1x1xi32>,
      %mul3A_591 = arith.constant 8 : i32
      %mul3A_592 = arith.muli %scan3A_16, %mul3A_591 : i32
      %add3A_593 = arith.constant 7 : i32
      %add3A_594 = arith.addi %mul3A_592, %add3A_593 : i32
      %get3A_595 = arith.constant 0 : index
      %get3A_596 = arith.constant 0 : index
      %get3A_597 = vector.load %arg6[%get3A_595, %get3A_596] : memref<98x1xf32, #tpu.memory_space<vmem>>, vector<98x1xf32>
      %reduce_max3A_598 = vector.shape_cast %get3A_597 : vector<98x1xf32> to vector<1x98x1xf32>
      %reduce_max3A_599 = arith.constant dense<0xFF800000> : vector<1xf32>
      %reduce_max3A_600 = vector.multi_reduction <maximumf>, %reduce_max3A_598, %reduce_max3A_599 [1, 2] : vector<1x98x1xf32> to vector<1xf32>
      %reduce_max3A_601 = vector.shape_cast %reduce_max3A_600 : vector<1xf32> to vector<1x1x1xf32>
      %reduce_max3A_602 = vector.extract %reduce_max3A_601[0, 0, 0] : f32 from vector<1x1x1xf32>
      %eq3A_603 = vector.broadcast %reduce_max3A_602 : f32 to vector<98x1xf32>
      %eq3A_604 = arith.cmpf oeq, %get3A_597, %eq3A_603 : vector<98x1xf32>
      %jit3A_605 = arith.constant 1073741824 : i32
      %broadcast_in_dim3A_606 = vector.broadcast %jit3A_605 : i32 to vector<98x1xi32>
      %select_n3A_607 = arith.select %eq3A_604, %iota3A, %broadcast_in_dim3A_606 : vector<98x1xi1>, vector<98x1xi32>
      %reduce_min3A_608 = vector.shape_cast %select_n3A_607 : vector<98x1xi32> to vector<1x98x1xi32>
      %reduce_min3A_609 = arith.constant dense<2147483647> : vector<1xi32>
      %reduce_min3A_610 = vector.multi_reduction <minsi>, %reduce_min3A_608, %reduce_min3A_609 [1, 2] : vector<1x98x1xi32> to vector<1xi32>
      %reduce_min3A_611 = vector.shape_cast %reduce_min3A_610 : vector<1xi32> to vector<1x1x1xi32>
      %reduce_min3A_612 = vector.extract %reduce_min3A_611[0, 0, 0] : i32 from vector<1x1x1xi32>
      %get3A_613 = arith.index_cast %reduce_min3A_612 : i32 to index
      %get3A_614 = arith.constant 0 : index
      %get3A_615 = vector.load %arg5[%get3A_613, %get3A_614] : memref<98x1024xf32, #tpu.memory_space<vmem>>, vector<1x1024xf32>
      %eq3A_616 = vector.broadcast %reduce_max3A_602 : f32 to vector<1x1024xf32>
      %eq3A_617 = arith.cmpf oeq, %get3A_615, %eq3A_616 : vector<1x1024xf32>
      %jit3A_618 = arith.constant 1073741824 : i32
      %broadcast_in_dim3A_619 = vector.broadcast %jit3A_618 : i32 to vector<1x1024xi32>
      %select_n3A_620 = arith.select %eq3A_617, %iota3A_11, %broadcast_in_dim3A_619 : vector<1x1024xi1>, vector<1x1024xi32>
      %reduce_min3A_621 = vector.shape_cast %select_n3A_620 : vector<1x1024xi32> to vector<1x1x1024xi32>
      %reduce_min3A_622 = arith.constant dense<2147483647> : vector<1xi32>
      %reduce_min3A_623 = vector.multi_reduction <minsi>, %reduce_min3A_621, %reduce_min3A_622 [1, 2] : vector<1x1x1024xi32> to vector<1xi32>
      %reduce_min3A_624 = vector.shape_cast %reduce_min3A_623 : vector<1xi32> to vector<1x1x1xi32>
      %reduce_min3A_625 = vector.extract %reduce_min3A_624[0, 0, 0] : i32 from vector<1x1x1xi32>
      %eq3A_626 = vector.broadcast %reduce_min3A_625 : i32 to vector<1x1024xi32>
      %eq3A_627 = arith.cmpi eq, %iota3A_11, %eq3A_626 : vector<1x1024xi32>
      %jit3A_628 = arith.constant 0xFF800000 : f32
      %broadcast_in_dim3A_629 = vector.broadcast %jit3A_628 : f32 to vector<1x1024xf32>
      %select_n3A_630 = arith.select %eq3A_627, %broadcast_in_dim3A_629, %get3A_615 : vector<1x1024xi1>, vector<1x1024xf32>
      %swap3A_631 = arith.index_cast %reduce_min3A_612 : i32 to index
      %swap3A_632 = arith.constant 0 : index
      %swap3A_633 = vector.load %arg5[%swap3A_631, %swap3A_632] : memref<98x1024xf32, #tpu.memory_space<vmem>>, vector<1x1024xf32>
      tpu.vector_store %arg5[%swap3A_631, %swap3A_632], %select_n3A_630 {strides = array<i32>} : memref<98x1024xf32, #tpu.memory_space<vmem>>, vector<1x1024xf32>,
      %eq3A_634 = vector.broadcast %reduce_min3A_612 : i32 to vector<98x1xi32>
      %eq3A_635 = arith.cmpi eq, %iota3A, %eq3A_634 : vector<98x1xi32>
      %reduce_max3A_636 = vector.shape_cast %select_n3A_630 : vector<1x1024xf32> to vector<1x1x1024xf32>
      %reduce_max3A_637 = arith.constant dense<0xFF800000> : vector<1xf32>
      %reduce_max3A_638 = vector.multi_reduction <maximumf>, %reduce_max3A_636, %reduce_max3A_637 [1, 2] : vector<1x1x1024xf32> to vector<1xf32>
      %reduce_max3A_639 = vector.shape_cast %reduce_max3A_638 : vector<1xf32> to vector<1x1x1xf32>
      %reduce_max3A_640 = vector.extract %reduce_max3A_639[0, 0, 0] : f32 from vector<1x1x1xf32>
      %broadcast_in_dim3A_641 = vector.broadcast %reduce_max3A_640 : f32 to vector<98x1xf32>
      %select_n3A_642 = arith.select %eq3A_635, %broadcast_in_dim3A_641, %get3A_597 : vector<98x1xi1>, vector<98x1xf32>
      %swap3A_643 = arith.constant 0 : index
      %swap3A_644 = arith.constant 0 : index
      %swap3A_645 = vector.load %arg6[%swap3A_643, %swap3A_644] : memref<98x1xf32, #tpu.memory_space<vmem>>, vector<98x1xf32>
      tpu.vector_store %arg6[%swap3A_643, %swap3A_644], %select_n3A_642 {strides = array<i32>} : memref<98x1xf32, #tpu.memory_space<vmem>>, vector<98x1xf32>,
      %reshape3A_646 = vector.broadcast %reduce_max3A_602 : f32 to vector<1x1xf32>
      %swap3A_647 = arith.index_cast %add3A_594 : i32 to index
      %swap3A_648 = arith.constant 0 : index
      %swap3A_649 = vector.load %arg2[%swap3A_647, %swap3A_648] : memref<512x1xf32, #tpu.memory_space<vmem>>, vector<1x1xf32>
      tpu.vector_store %arg2[%swap3A_647, %swap3A_648], %reshape3A_646 {strides = array<i32>} : memref<512x1xf32, #tpu.memory_space<vmem>>, vector<1x1xf32>,
      %mul3A_650 = arith.constant 1024 : i32
      %mul3A_651 = arith.muli %reduce_min3A_612, %mul3A_650 : i32
      %add3A_652 = arith.addi %mul3A_651, %reduce_min3A_625 : i32
      %reshape3A_653 = vector.broadcast %add3A_652 : i32 to vector<1x1xi32>
      %swap3A_654 = arith.index_cast %add3A_594 : i32 to index
      %swap3A_655 = arith.constant 0 : index
      %swap3A_656 = vector.load %arg3[%swap3A_654, %swap3A_655] : memref<512x1xi32, #tpu.memory_space<vmem>>, vector<1x1xi32>
      tpu.vector_store %arg3[%swap3A_654, %swap3A_655], %reshape3A_653 {strides = array<i32>} : memref<512x1xi32, #tpu.memory_space<vmem>>, vector<1x1xi32>,
      %get3A_657 = arith.index_cast %reduce_min3A_612 : i32 to index
      %get3A_658 = arith.constant 0 : index
      %get3A_659 = vector.load %arg1[%get3A_657, %get3A_658] : memref<98x1024xi32, #tpu.memory_space<vmem>>, vector<1x1024xi32>
      %eq3A_660 = vector.broadcast %reduce_min3A_625 : i32 to vector<1x1024xi32>
      %eq3A_661 = arith.cmpi eq, %iota3A_11, %eq3A_660 : vector<1x1024xi32>
      %jit3A_662 = arith.constant 1073741824 : i32
      %broadcast_in_dim3A_663 = vector.broadcast %jit3A_662 : i32 to vector<1x1024xi32>
      %select_n3A_664 = arith.select %eq3A_661, %get3A_659, %broadcast_in_dim3A_663 : vector<1x1024xi1>, vector<1x1024xi32>
      %reduce_min3A_665 = vector.shape_cast %select_n3A_664 : vector<1x1024xi32> to vector<1x1x1024xi32>
      %reduce_min3A_666 = arith.constant dense<2147483647> : vector<1xi32>
      %reduce_min3A_667 = vector.multi_reduction <minsi>, %reduce_min3A_665, %reduce_min3A_666 [1, 2] : vector<1x1x1024xi32> to vector<1xi32>
      %reduce_min3A_668 = vector.shape_cast %reduce_min3A_667 : vector<1xi32> to vector<1x1x1xi32>
      %reduce_min3A_669 = vector.extract %reduce_min3A_668[0, 0, 0] : i32 from vector<1x1x1xi32>
      %reshape3A_670 = vector.broadcast %reduce_min3A_669 : i32 to vector<1x1xi32>
      %swap3A_671 = arith.index_cast %add3A_594 : i32 to index
      %swap3A_672 = arith.constant 0 : index
      %swap3A_673 = vector.load %arg4[%swap3A_671, %swap3A_672] : memref<512x1xi32, #tpu.memory_space<vmem>>, vector<1x1xi32>
      tpu.vector_store %arg4[%swap3A_671, %swap3A_672], %reshape3A_670 {strides = array<i32>} : memref<512x1xi32, #tpu.memory_space<vmem>>, vector<1x1xi32>,
    }
    %scan3A_15 = arith.constant 64 : i32
    return
  }
}

</mosaic_0001>

<sc_bundles>
// kernel: kernel.5.cloned.1.call-start
scs
__scs_entry_jumppad:
0x0: {  	(pc) =	sbr.rel $0x88, $3  }
0x1: {  	(tag) =	ssettag $0x0;
	lr =	simm.s32 $0x1  }
0x2: {  	[smem:$0x3F9B] =	sst lr;
	_ =	strace $0xD0000000  }
0x3: {  	_ = 	snop  }
0x4: {  	_ = 	snop  }
0x5: {  	_ = 	snop  }
0x6: {  	_ = 	snop  }
0x7: {  	_ = 	snop  }
__scs_overlays_trampoline_lowered:
0x8: {  	[smem:$0x3FAA] =	sst s0  }
0x9: {  	[smem:$0x3FAB] =	sst s1  }
0xa: {  	[smem:$0x3FAC] =	sst s2  }
0xb: {  	[smem:$0x3FAD] =	sst s3  }
0xc: {  	[smem:$0x3FAE] =	sst s4  }
0xd: {  	[smem:$0x3FAF] =	sst s5  }
0xe: {  	[smem:$0x3FB0] =	sst s6  }
0xf: {  	[smem:$0x3FB1] =	sst s7  }
0x10: {  	[smem:$0x3FB2] =	sst s8  }
0x11: {  	[smem:$0x3FB3] =	sst s9;
	s0 =	simm.s32 @!p0 $0x0  }
0x12: {  	s1 =	sld [smem:$0x3F99];
	s0 =	simm.s32 @p0 $0x1  }
0x13: {  	[smem:$0x3FB4] =	sst s0;
	s0 =	simm.s32 @!p1 $0x0  }
0x14: {  	s2 =	sld [smem:$0x3F98];
	s0 =	simm.s32 @p1 $0x1  }
0x15: {  	[smem:$0x3FB5] =	sst s0;
	s0 =	simm.s32 @!p2 $0x0  }
0x16: {  	s3 =	sld [smem:$0x3FDB];
	s0 =	simm.s32 @p2 $0x1  }
0x17: {  	s4 =	simm.s32 $0x1BF5;
	[smem:$0x3FB7] =	sst s0  }
0x18: {  	s0 =	sld [smem:$0x3F9A];
	_ =	swait.ge [sflag:s4], $0x0  }
0x19: {  	s7 =	sld [smem:$0x3F9B]  }
0x1a: {  	s8 =	sadd.s32 $0xFFFFE003, lr  }
0x1b: {  	s9 =	sadd.s32 $0xFFFFFEF7, lr;
	s5 =	simm.s32 $0xFFFFFFFF;
	p2 =	slt.u32 s8, $0xFFFFF086  }
0x1c: {  	p1 =	slt.u32 s9, $0xF7A;
	s5 =	simm.s32 @!p2 $0x0  }
0x1d: {  	s5 =	simm.s32 @p1 $0x1;
	p0 =	seq.s32 s7, s2  }
0x1e: {  	s7 =	smul.u32 @!p0 $0xF7A, s2;
	p2 =	seq.s32 @!p0 s5, $0x0  }
0x1f: {  	s9 =	smul.u32 $0xF7A, s1;
	s8 =	simm.s32 @!p0 $0x1BF5;
	p2 =	por !p2, p0  }
0x20: {  	[sflag:s8] =	ssyncset.s32 @!p0 $0xFFFFF086;
	s6 =	sadd.s32 @!p0 s3, s7;
	s7 =	simm.s32 @!p0 $0x108  }
0x21: {  	s3 =	sadd.s32 s3, s9;
	s6 =	sadd.s32 @!p0 $0x88, s6;
	s7 =	simm.s32 @p2 $0x1082  }
0x22: {  	[simem:s7], [sflag:s8] =	dma.local @!p0 [hbm:s6], $0xF7A  }
0x23: {  	s9 =	sor.u32 $0xD0000000, s2;
	s6 =	simm.s32 $0x108;
	_ =	swait.ge @!p0 [sflag:s8], $0x0  }
0x24: {  	s3 =	sadd.s32 $0x88, s3;
	s6 =	simm.s32 @!p1 $0x1082;
	[sflag:s4] =	ssyncset.s32 $0xFFFFF086  }
0x25: {  	[simem:s6], [sflag:s4] =	dma.local [hbm:s3], $0xF7A  }
0x26: {  	[smem:$0x3F9B] =	sst s1;
	(tag) =	ssettag s2;
	_ =	strace s9  }
0x27: {  	s1 =	sld [smem:$0x3FAB]  }
0x28: {  	s2 =	sld [smem:$0x3FAC]  }
0x29: {  	s4 =	sld [smem:$0x3FAE]  }
0x2a: {  	p0 =	seq.s32 s5, $0x0;
	s5 =	sld [smem:$0x3FAF]  }
0x2b: {  	s6 =	sld [smem:$0x3FB0]  }
0x2c: {  	s7 =	sld [smem:$0x3FB1]  }
0x2d: {  	s3 =	simm.s32 $0x108;
	s8 =	sld [smem:$0x3FB2]  }
0x2e: {  	s3 =	simm.s32 @!p0 $0x1082;
	s9 =	sld [smem:$0x3FB3]  }
0x2f: {  	lr =	sadd.s32 s0, s3;
	s0 =	sld [smem:$0x3FAA]  }
0x30: {  	s3 =	sld [smem:$0x3FAD]  }
0x31: {  	[smem:$0x3FB6] =	sst s10  }
0x32: {  	s10 =	sld [smem:$0x3FB4];
	_ =	sdelay $0x3  }
0x33: {  	p0 =	seq.s32 s10, $0x1;
	s10 =	sld [smem:$0x3FB6];
	_ =	sdelay $0x3  }
0x34: {  	[smem:$0x3FB6] =	sst s10  }
0x35: {  	s10 =	sld [smem:$0x3FB5];
	_ =	sdelay $0x3  }
0x36: {  	p1 =	seq.s32 s10, $0x1;
	s10 =	sld [smem:$0x3FB6];
	_ =	sdelay $0x3  }
0x37: {  	[smem:$0x3FB6] =	sst s10  }
0x38: {  	s10 =	sld [smem:$0x3FB7]  }
0x39: {  	_ = 	snop;
	(pc) =	sbr.ind lr, $3  }
0x3a: {  	_ = 	snop  }
0x3b: {  	_ = 	snop  }
0x3c: {  	p2 =	seq.s32 s10, $0x1;
	s10 =	sld [smem:$0x3FB6]  }
0x3d: {  	_ =	shalt  }
0x3e: {  	_ =	shalt  }
0x3f: {  	_ =	shalt  }
0x40: {  	_ =	shalt  }
0x41: {  	_ =	shalt  }
0x42: {  	_ =	shalt  }
0x43: {  	_ =	shalt  }
0x44: {  	_ =	shalt  }
0x45: {  	_ =	shalt  }
0x46: {  	_ =	shalt  }
0x47: {  	_ =	shalt  }
0x48: {  	_ =	shalt  }
0x49: {  	_ =	shalt  }
0x4a: {  	_ =	shalt  }
0x4b: {  	_ =	shalt  }
0x4c: {  	_ =	shalt  }
0x4d: {  	_ =	shalt  }
0x4e: {  	_ =	shalt  }
0x4f: {  	_ =	shalt  }
0x50: {  	_ =	shalt  }
0x51: {  	_ =	shalt  }
0x52: {  	_ =	shalt  }
0x53: {  	_ =	shalt  }
0x54: {  	_ =	shalt  }
0x55: {  	_ =	shalt  }
0x56: {  	_ =	shalt  }
0x57: {  	_ =	shalt  }
0x58: {  	_ =	shalt  }
0x59: {  	_ =	shalt  }
0x5a: {  	_ =	shalt  }
0x5b: {  	_ =	shalt  }
0x5c: {  	_ =	shalt  }
0x5d: {  	_ =	shalt  }
0x5e: {  	_ =	shalt  }
0x5f: {  	_ =	shalt  }
0x60: {  	_ =	shalt  }
0x61: {  	_ =	shalt  }
0x62: {  	_ =	shalt  }
0x63: {  	_ =	shalt  }
0x64: {  	_ =	shalt  }
0x65: {  	_ =	shalt  }
0x66: {  	_ =	shalt  }
0x67: {  	_ =	shalt  }
0x68: {  	_ =	shalt  }
0x69: {  	_ =	shalt  }
0x6a: {  	_ =	shalt  }
0x6b: {  	_ =	shalt  }
0x6c: {  	_ =	shalt  }
0x6d: {  	_ =	shalt  }
0x6e: {  	_ =	shalt  }
0x6f: {  	_ =	shalt  }
0x70: {  	_ =	shalt  }
0x71: {  	_ =	shalt  }
0x72: {  	_ =	shalt  }
0x73: {  	_ =	shalt  }
0x74: {  	_ =	shalt  }
0x75: {  	_ =	shalt  }
0x76: {  	_ =	shalt  }
0x77: {  	_ =	shalt  }
0x78: {  	_ =	shalt  }
0x79: {  	_ =	shalt  }
0x7a: {  	_ =	shalt  }
0x7b: {  	_ =	shalt  }
0x7c: {  	_ =	shalt  }
0x7d: {  	_ =	shalt  }
0x7e: {  	_ =	shalt  }
0x7f: {  	_ =	shalt  }
0x80: {  	_ =	shalt  }
0x81: {  	_ =	shalt  }
0x82: {  	_ =	shalt  }
0x83: {  	_ =	shalt  }
0x84: {  	_ =	shalt  }
0x85: {  	_ =	shalt  }
0x86: {  	_ =	shalt  }
0x87: {  	_ =	shalt  }
.Lfunc_end0:
.L_simem_size_0:
called_computation_lowered:
.L_overlay_start_0:
0x88: {  	s2 =	sld [smem:$0x3FD9]  }
0x89: {  	s3 =	sld [smem:$0x3FFE];
	_ =	sdelay $0x1  }
0x8a: {  	s1 =	srdreg.scid  }
0x8b: {  	s0 =	sand.u32 $0x1, s1  }
0x8c: {  	s17 =	sshll.u32 s0, $0xA;
	s2 =	sadd.s32 s3, s2  }
0x8d: {  	s2 =	sadd.s32 s2, s17  }
0x8e: {  	[smem:$0x3FC2] =	sst s2  }
0x8f: {  	_ = 	snop  }
0x90: {  	s2 =	sld [smem:$0x3FC9]  }
0x91: {  	s18 =	sld [smem:$0x3FD0];
	(tm) =	ssettm $0x1  }
0x92: {  	s4 =	sld [smem:$0x3FFB];
	_ =	sdelay $0x3  }
0x93: {  	_ =	strace s4  }
0x94: {  	s4 =	sld [smem:$0x3FFC];
	_ =	sdelay $0x3  }
0x95: {  	_ =	strace s4  }
0x96: {  	s4 =	sld [smem:$0x3FFD];
	_ =	sdelay $0x3  }
0x97: {  	_ =	strace s4  }
0x98: {  	_ =	strace $0x8FFFFFFF  }
0x99: {  	s19 =	sld [smem:$0x3FDB];
	_ =	sdelay $0x1  }
0x9a: {  	s5 =	simm.s32 $_scs_section_size  }
0x9b: {  	s6 =	simm.s32 $_size__tile_overlayer_lowered;
	s7 =	simm.s32 $_tile_overlayer_lowered  }
0x9c: {  	s22 =	simm.s32 $0x1BFF;
	s21 =	sshll.u32 s7, $0x1;
	s4 =	sadd.s32 s5, s19  }
0x9d: {  	s8 =	simm.s32 $0x0;
	s20 =	sshll.u32 s6, $0x1;
	s6 =	sadd.s32 s21, s4  }
0x9e: {  	[timem:s8], [sflag:s22] =	dma.local [hbm:s6], s20  }
0x9f: {  	_ =	swait.ge [sflag:s22], s20  }
0xa0: {  	s5 =	ssub.s32 $0x0, s20;
	[sflag:s22] =	ssyncset.done $0x0  }
0xa1: {  	[sflag:s22] =	ssyncadd.s32 s5;
	_ =	sdelay $0x1  }
0xa2: {  	s23 =	simm.s32 $0x1B8B  }
0xa3: {  	_ =	swait.ge [sflag:s23], $0x1  }
0xa4: {  	[sflag:s23] =	ssyncset.done $0x0  }
0xa5: {  	s25 =	simm.s32 $0x1B8E;
	s24 =	sld [smem:$0x3FFE];
	[sflag:s23] =	ssyncadd.s32 $0xFFFFFFFF  }
0xa6: {  	s26 =	simm.s32 $execute0_lowered;
	[smem:$0x3FD2] =	sst s25  }
0xa7: {  	s6 =	sshll.u32 s26, $0x1;
	_ =	strace $0x80000046;
	[dreg:$0x1] =	wrdreg $0xFFFFFFFF  }
0xa8: {  	s28 =	simm.s32 $_size_execute0_lowered;
	s4 =	sadd.s32 s4, s6;
	[dreg:$0x0] =	wrdreg $0x0  }
0xa9: {  	s6 =	sshll.u32 s28, $0x1;
	[dreg:$0x2] =	wrdreg s4  }
0xaa: {  	[dreg:$0x3] =	wrdreg s6  }
0xab: {  	[dreg:$0x4] =	wrdreg $0xC0  }
0xac: {  	_ =	task [dreg:s8], $0x5FFFF  }
0xad: {  	[dreg:$0x1] =	wrdreg $0xFFFFFFFF  }
0xae: {  	[dreg:$0x0] =	wrdreg $0x60  }
0xaf: {  	[dreg:$0x2] =	wrdreg s2  }
0xb0: {  	[dreg:$0x3] =	wrdreg s24  }
0xb1: {  	[dreg:$0x4] =	wrdreg s18  }
0xb2: {  	[dreg:$0x5] =	wrdreg $0x9  }
0xb3: {  	_ =	task.clear_ibuf [dreg:s8], $0x6FFFF;
	_ =	strace $0x90000046  }
0xb4: {  	s29 =	simm.s32 $0x9;
	_ =	strace $0x80000048  }
0xb5: {  	_ =	swait.ge [sflag:s29], $0x1  }
0xb6: {  	[sflag:s29] =	ssyncadd.s32 $0xFFFFFFFF  }
0xb7: {  	_ =	strace $0x90000048  }
0xb8: {  	_ =	sfence  }
0xb9: {  	s30 =	sld [smem:$0x0];
	_ =	sdelay $0x2  }
0xba: {  	s31 =	sshll.u32 s1, $0xD;
	s1 =	sshrl.u32 s1, $0x2  }
0xbb: {  	s3 =	sand.u32 $0x4000, s31;
	s1 =	sadd.s32 s1, s30  }
0xbc: {  	s0 =	sor.u32 s3, s0;
	s1 =	sshll.u32 s1, $0x11  }
0xbd: {  	s0 =	sor.u32 s1, s0  }
0xbe: {  	s0 =	sadd.s32 $0x8F2B, s0  }
0xbf: {  	[sflag:s0] =	ssyncadd.remote.s32 $0x1  }
0xc0: {  	_ =	sfence.sel $0xFFFF  }
0xc1: {  	[dreg:$0x0] =	wrdreg $0xFFFFFFFF;
	(pc) =	sbr.abs _section_cstart, $3  }
0xc2: {  	[dreg:$0x1] =	wrdreg $0xFFFFFFFF  }
0xc3: {  	_ =	task.clear_ibuf [dreg:s8], $0x2FFFF;
	_ =	strace $0x9FFFFFFF  }
0xc4: {  	(tm) =	ssettm $0x7FFFFFFF  }
0xc5: {  	_ =	shalt  }
tec
execute0_lowered:
.L_overlay_start_1:
0x0: {  	(tag) =	ssettag $0x1  }
0x1: {  	s1 =	rddreg [dreg:$0x0];
	s2 =	srdreg.scid  }
0x2: {  	s4 =	rddreg [dreg:$0x1];
	s0 =	stileid.u32;
	s7 =	sand.u32 $0x1, s2  }
0x3: {  	s9 =	rddreg [dreg:$0x2];
	s5 =	sshll.u32 s0, $0x5;
	s6 =	sshll.u32 s7, $0x4  }
0x4: {  	s3 =	simm.s32 $0x0;
	s2 =	rddreg [dreg:$0x3];
	s10 =	sor.u32 s6, s5  }
0x5: {  	[smem:$0x7FF] =	sst s3;
	s5 =	sshrl.u32 s10, $0x3  }
0x6: {  	_ =	strace $0x80000047;
	s5 =	sadd.s32 s4, s5;
	s4 =	simm.s32 $0x2  }
0x7: {  	[tilespmem:s3], [sflag:$0x2] =	stream.linear.gather [hbm4b:s5+s3], $0x10, $0x38;
	[tilespmem:$0x1080] =	vst v63  }
0x8: {  	_ =	swait.ge [sflag:s4], $0x10  }
0x9: {  	[sflag:s4] =	ssyncset.done $0x0  }
0xa: {  	[sflag:s4] =	ssyncadd.s32 $0xFFFFFFF0  }
0xb: {  	v0 =	vld [tilespmem:$0x0];
	_ =	sdelay $0x4  }
0xc: {  	v1 =	vshll.u32 v0, $0x1  }
0xd: {  	v2 =	vlaneseq.u32;
	v3 =	vand.u32 $0x7, v0;
	v1 =	vand.u32 $0xFFFFFFF0, v1  }
0xe: {  	v4 =	vshrl.u32 v2, $0x3;
	v0 =	vand.u32 $0x7, v2;
	v3 =	vor.u32 v3, v1  }
0xf: {  	v1 =	vmul.u32 $0x8, v4;
	v63 =	vperm.xlane v3, v0  }
0x10: {  	v2 =	vor.u32 $0x8, v2  }
0x11: {  	v3 =	vperm.xlane v3, v2;
	v4 =	vadd.s32 v1, v63;
	_ =	sdelay $0x1  }
0x12: {  	s11 =	ssub.s32 $0x2, s7;
	v3 =	vadd.s32 v1, v3  }
0x13: {  	s12 =	sshrl.u32 s11, $0x1  }
0x14: {  	vm0 =	vmmov $0xffff;
	s6 =	simm.s32 $0x80;
	s11 =	ssub.s32 s11, s12  }
0x15: {  	[tilespmem:s6], [sflag:$0x1] =	stream.indirect_vreg.gather [hbm4b:s1+s3], $0x80, v4, vm0, $0xb8;
	[tilespmem:$0x1080] =	vst v63  }
0x16: {  	s8 =	simm.s32 $0x1;
	s7 =	simm.s32 $0x880;
	s31 =	smax.u32 s11, $0x1  }
0x17: {  	[tilespmem:s7], [sflag:$0x1] =	stream.indirect_vreg.gather [hbm4b:s1+s3], $0x80, v3, vm0, $0xb8;
	[tilespmem:$0x1080] =	vst v63  }
0x18: {  	p0 =	sne.s32 s31, $0x1;
	_ =	swait.ge [sflag:s8], $0x1000  }
.Ltmp0:
0x19: {  	s10 =	sshll.u32 s10, $0x5;
	[sflag:s8] =	ssyncset.done $0x0;
	(pc) =	sbr.rel @!p0 .LBB2_2-.Ltmp0, $4  }
0x1a: {  	s9 =	sadd.s32 s9, s10;
	[sflag:s8] =	ssyncadd.s32 $0xFFFFF000  }
0x1b: {  	[hbm4b:s9+s3] =	stream.linear.scatter [tilespmem:s6], [sflag:$0x2], $0x1000, $0x38;
	[tilespmem:$0x1080] =	vst v63  }
0x1c: {  	_ =	swait.ge [sflag:s4], $0x1000  }
0x1d: {  	s10 =	sadd.s32 $0xFFFFFFFF, s31;
	[sflag:s4] =	ssyncset.done $0x0  }
.LBB2_1:
0x1e: {  	p0 =	sne.s32 s10, $0x1;
	s10 =	sadd.s32 $0xFFFFFFFF, s10;
	[sflag:s4] =	ssyncadd.s32 $0xFFFFF000  }
0x1f: {  	[tilespmem:s3], [sflag:$0x2] =	stream.linear.gather [hbm4b:s5+s3], $0x10, $0x38;
	[tilespmem:$0x1080] =	vst v63  }
0x20: {  	_ =	swait.ge [sflag:s4], $0x10  }
0x21: {  	[sflag:s4] =	ssyncset.done $0x0  }
0x22: {  	[sflag:s4] =	ssyncadd.s32 $0xFFFFFFF0  }
0x23: {  	v3 =	vld [tilespmem:$0x0];
	_ =	sdelay $0x4  }
0x24: {  	v4 =	vshll.u32 v3, $0x1  }
0x25: {  	v3 =	vand.u32 $0x7, v3;
	v4 =	vand.u32 $0xFFFFFFF0, v4  }
0x26: {  	v3 =	vor.u32 v3, v4  }
0x27: {  	v4 =	vperm.xlane v3, v0;
	v3 =	vperm.xlane v3, v2;
	_ =	sdelay $0x1  }
0x28: {  	v4 =	vadd.s32 v1, v4;
	_ =	sdelay $0x1  }
0x29: {  	v3 =	vadd.s32 v1, v3;
	_ =	sdelay $0x2  }
0x2a: {  	[tilespmem:s6], [sflag:$0x1] =	stream.indirect_vreg.gather [hbm4b:s1+s3], $0x80, v4, vm0, $0xb8;
	[tilespmem:$0x1080] =	vst v63  }
0x2b: {  	_ = 	snop  }
0x2c: {  	[tilespmem:s7], [sflag:$0x1] =	stream.indirect_vreg.gather [hbm4b:s1+s3], $0x80, v3, vm0, $0xb8;
	[tilespmem:$0x1080] =	vst v63  }
0x2d: {  	_ =	swait.ge [sflag:s8], $0x1000  }
.Ltmp1:
0x2e: {  	[sflag:s8] =	ssyncset.done $0x0;
	(pc) =	sbr.rel @p0 .LBB2_1-.Ltmp1, $4  }
0x2f: {  	[sflag:s8] =	ssyncadd.s32 $0xFFFFF000  }
0x30: {  	[hbm4b:s9+s3] =	stream.linear.scatter [tilespmem:s6], [sflag:$0x2], $0x1000, $0x38;
	[tilespmem:$0x1080] =	vst v63  }
0x31: {  	_ =	swait.ge [sflag:s4], $0x1000  }
0x32: {  	[sflag:s4] =	ssyncset.done $0x0  }
.LBB2_2:
0x33: {  	[sflag:s4] =	ssyncadd.s32 $0xFFFFF000  }
0x34: {  	_ =	sfence.sel $0x180000  }
0x35: {  	[bflag:$0x0] =	sbarrier.arrive $0xFFFF  }
0x36: {  	p0 =	sne.s32 s0, $0x0;
	_ =	strace $0x90000047  }
0x37: {  	s0 =	sadd.s32 @!p0 $0x100000, s2;
	[bflag:$0x2] =	sbarrier.arrive $0xFFFF  }
0x38: {  	[sflag:s0] =	ssyncadd.tile.s32 @!p0 $0x1;
	_ =	shalt  }
.Lfunc_end2:
_tile_overlayer_lowered:
.L_overlay_start_2:
0x39: {  	(tag) =	ssettag $0x2  }
0x3a: {  	s0 =	rddreg [dreg:$0x0];
	s2 =	stileid.u32  }
0x3b: {  	s1 =	rddreg [dreg:$0x1];
	p0 =	sne.s32 s2, $0x0  }
0x3c: {  	s3 =	rddreg [dreg:$0x2];
	[bflag:$0x3] =	sbarrier.arrive $0xFFFF;
	s2 =	simm.s32 @!p0 $0x1C02  }
0x3d: {  	[timem:s3], [sflag:s2] =	dma.local @!p0 [hbm:s0], s1  }
0x3e: {  	s0 =	simm.s32 @!p0 $0x2  }
0x3f: {  	_ =	swait.ge @!p0 [sflag:s0], s1  }
0x40: {  	s1 =	ssub.s32 @!p0 $0x0, s1;
	[sflag:s0] =	ssyncset.done @!p0 $0x0  }
0x41: {  	[sflag:s0] =	ssyncadd.s32 @!p0 s1  }
0x42: {  	[bflag:$0x3] =	sbarrier.arrive $0xFFFF  }
0x43: {  	_ =	shalt  }

</sc_bundles>
